<compile_context>
chip_gen: v7x
topology: tpu7x:2x2x1
jax: 0.10.2.dev20260603
libtpu: 0.0.44.dev20260713+nightly
codegen_flags: <defaults>
</compile_context>

<pallas_src>
import functools

import jax
import jax.numpy as jnp
from jax import lax
from jax.experimental import pallas as pl
from jax.experimental.pallas import tpu as pltpu
from jax.experimental.pallas import tpu_sc as plsc


def _gather_kernel(n_rows, embed_dim, n_workers, chunk, nbuf):
    per_w = n_rows // n_workers
    n_chunks = per_w // chunk
    n_outer = n_chunks // nbuf
    mesh = plsc.VectorSubcoreMesh(core_axis_name="c", subcore_axis_name="s")

    @functools.partial(
        pl.kernel,
        out_type=jax.ShapeDtypeStruct((n_rows, embed_dim), jnp.float32),
        mesh=mesh,
        scratch_types=[
            pltpu.VMEM((per_w,), jnp.int32),
            pltpu.VMEM((nbuf, chunk, embed_dim), jnp.float32),
            [pltpu.SemaphoreType.DMA] * nbuf,
            [pltpu.SemaphoreType.DMA] * nbuf,
        ],
        compiler_params=pltpu.CompilerParams(use_tc_tiling_on_sc=False),
    )
    def k(idx_hbm, table_hbm, out_hbm, idx_v, rows_v, gsems, osems):
        wid = lax.axis_index("s") * 2 + lax.axis_index("c")
        base = pl.multiple_of(wid * per_w, chunk)
        pltpu.sync_copy(idx_hbm.at[pl.ds(base, per_w)], idx_v)

        def gather(ci, b):
            return pltpu.make_async_copy(
                table_hbm.at[idx_v.at[pl.ds(ci * chunk, chunk)]],
                rows_v.at[b],
                gsems[b],
            )

        def writeout(ci, b):
            return pltpu.make_async_copy(
                rows_v.at[b],
                out_hbm.at[pl.ds(base + ci * chunk, chunk)],
                osems[b],
            )

        for b in range(nbuf):
            gather(b, b).start()

        def outer(g, carry):
            for b in range(nbuf):
                ci = g * nbuf + b
                gather(ci, b).wait()
                writeout(ci, b).start()
            for b in range(nbuf):
                ci = g * nbuf + b
                writeout(ci, b).wait()
                gather(ci + nbuf, b).start()
            return carry

        lax.fori_loop(0, n_outer - 1, outer, 0)

        last = (n_outer - 1) * nbuf
        for b in range(nbuf):
            gather(last + b, b).wait()
            writeout(last + b, b).start()
        for b in range(nbuf):
            writeout(last + b, b).wait()

    return k


def kernel(inputs, table):
    batch, hist = inputs.shape
    _, embed_dim = table.shape
    n_rows = batch * hist
    idx = inputs.reshape(n_rows).astype(jnp.int32)
    k = _gather_kernel(n_rows, embed_dim, n_workers=32, chunk=320, nbuf=10)
    out = k(idx, table)
    return out.reshape(batch, hist, embed_dim)

# --- scband reference (transcript-rebuilt; emitter-appended) ---
"""Pipeline reference for scband-word-embedding-32744830665295 (READ-ONLY COPY).

The authoritative reference and input builder live on the scoring server;
editing this copy changes nothing except your own understanding.
"""

import jax, jax.numpy as jnp
import numpy as np

VOCAB = 1000000
EMBED_DIM = 32
BATCH = 16384
HIST = 50

def setup_inputs(seed: int = 0) -> dict:
    key = jax.random.key(seed)
    k_idx, k_tab = jax.random.split(key)
    inputs = jax.random.randint(k_idx, (BATCH, HIST), 0, VOCAB, dtype=jnp.int64 if jax.config.jax_enable_x64 else jnp.int32)
    table = jax.random.normal(k_tab, (VOCAB, EMBED_DIM), dtype=jnp.float32)
    return {"inputs": inputs, "table": table}

def reference(inputs, table):
    # nn.Embedding forward: row gather from the embedding table
    return jnp.take(table, inputs, axis=0)

if __name__ == "__main__":
    import jax
    _d = setup_inputs()
    print(jax.jit(kernel)(*tuple(_d.values())))

</pallas_src>

<mosaic_0001>
#map = affine_map<(d0, d1) -> (0)>
#map1 = affine_map<(d0, d1) -> (0, 0)>
module attributes {stable_mosaic.version = 14 : i64} {
  func.func @k(%arg0: i32, %arg1: i32, %arg2: memref<819200xi32, #tpu.memory_space<hbm>>, %arg3: memref<1000000x32xf32, #tpu.memory_space<hbm>>, %arg4: memref<819200x32xf32, #tpu.memory_space<hbm>>, %arg5: memref<25600xi32, #tpu.memory_space<vmem>>, %arg6: memref<10x320x32xf32, #tpu.memory_space<vmem>>, %arg7: memref<!tpu.dma_semaphore, #tpu.memory_space<semaphore_mem>>, %arg8: memref<!tpu.dma_semaphore, #tpu.memory_space<semaphore_mem>>, %arg9: memref<!tpu.dma_semaphore, #tpu.memory_space<semaphore_mem>>, %arg10: memref<!tpu.dma_semaphore, #tpu.memory_space<semaphore_mem>>, %arg11: memref<!tpu.dma_semaphore, #tpu.memory_space<semaphore_mem>>, %arg12: memref<!tpu.dma_semaphore, #tpu.memory_space<semaphore_mem>>, %arg13: memref<!tpu.dma_semaphore, #tpu.memory_space<semaphore_mem>>, %arg14: memref<!tpu.dma_semaphore, #tpu.memory_space<semaphore_mem>>, %arg15: memref<!tpu.dma_semaphore, #tpu.memory_space<semaphore_mem>>, %arg16: memref<!tpu.dma_semaphore, #tpu.memory_space<semaphore_mem>>, %arg17: memref<!tpu.dma_semaphore, #tpu.memory_space<semaphore_mem>>, %arg18: memref<!tpu.dma_semaphore, #tpu.memory_space<semaphore_mem>>, %arg19: memref<!tpu.dma_semaphore, #tpu.memory_space<semaphore_mem>>, %arg20: memref<!tpu.dma_semaphore, #tpu.memory_space<semaphore_mem>>, %arg21: memref<!tpu.dma_semaphore, #tpu.memory_space<semaphore_mem>>, %arg22: memref<!tpu.dma_semaphore, #tpu.memory_space<semaphore_mem>>, %arg23: memref<!tpu.dma_semaphore, #tpu.memory_space<semaphore_mem>>, %arg24: memref<!tpu.dma_semaphore, #tpu.memory_space<semaphore_mem>>, %arg25: memref<!tpu.dma_semaphore, #tpu.memory_space<semaphore_mem>>, %arg26: memref<!tpu.dma_semaphore, #tpu.memory_space<semaphore_mem>>) attributes {dimension_semantics = [#tpu.dimension_semantics<core_parallel>, #tpu.dimension_semantics<subcore_parallel>], iteration_bounds = array<i64: 2, 16>, scalar_prefetch = 0 : i64, scratch_operands = 22 : i64, tpu.core_type = #tpu.core_type<sc_vector_subcore>, window_params = [{transform_indices = #map}, {transform_indices = #map1}, {transform_indices = #map1}]} {
    %mul3A = arith.constant 2 : i32
    %mul3A_0 = arith.muli %arg1, %mul3A : i32
    %add3A = arith.addi %mul3A_0, %arg0 : i32
    %mul3A_1 = arith.constant 25600 : i32
    %mul3A_2 = arith.muli %add3A, %mul3A_1 : i32
    %multiple_of3A = tpu.assume_multiple %mul3A_2, 320 : i32
    "tpu.region"() ({
      %run_scoped3A = tpu.sem_alloc : memref<!tpu.dma_semaphore, #tpu.memory_space<semaphore_mem>>
      %dma_start3A_506 = tpu.memref_slice %arg2[%multiple_of3A] : memref<819200xi32, #tpu.memory_space<hbm>> -> memref<25600xi32, #tpu.memory_space<hbm>>
      %dma_start3A_507 = tpu.memref_slice %arg2[%multiple_of3A] : memref<819200xi32, #tpu.memory_space<hbm>> -> memref<25600xi32, #tpu.memory_space<hbm>>
      tpu.enqueue_dma source(%dma_start3A_507 : memref<25600xi32, #tpu.memory_space<hbm>>) target(%arg5 : memref<25600xi32, #tpu.memory_space<vmem>>) target_semaphore(%run_scoped3A : memref<!tpu.dma_semaphore, #tpu.memory_space<semaphore_mem>>)
      %dma_wait3A_508 = tpu.memref_slice %arg2[%multiple_of3A] : memref<819200xi32, #tpu.memory_space<hbm>> -> memref<25600xi32, #tpu.memory_space<hbm>>
      %dma_wait3A_509 = tpu.memref_slice %arg2[%multiple_of3A] : memref<819200xi32, #tpu.memory_space<hbm>> -> memref<25600xi32, #tpu.memory_space<hbm>>
      tpu.wait_dma2 semaphore(%run_scoped3A : memref<!tpu.dma_semaphore, #tpu.memory_space<semaphore_mem>>) src(%dma_wait3A_509 : memref<25600xi32, #tpu.memory_space<hbm>>) dst(%arg5 : memref<25600xi32, #tpu.memory_space<vmem>>)
      tpu.yield
    }) : () -> ()
    %dma_start3A = arith.constant 0 : i32
    %dma_start3A_3 = arith.constant 0 : i32
    %dma_start3A_4 = arith.constant 0 : i32
    %dma_start3A_5 = tpu.memref_slice %arg6[%dma_start3A, %dma_start3A_3, %dma_start3A_4] : memref<10x320x32xf32, #tpu.memory_space<vmem>> -> memref<1x320x32xf32, #tpu.memory_space<vmem>>
    %dma_start3A_6 = tpu.memref_squeeze %dma_start3A_5 : memref<1x320x32xf32, #tpu.memory_space<vmem>> -> memref<320x32xf32, #tpu.memory_space<vmem>>
    %dma_start3A_7 = arith.constant 0 : i32
    %dma_start3A_8 = tpu.memref_slice %arg5[%dma_start3A_7] : memref<25600xi32, #tpu.memory_space<vmem>> -> memref<320xi32, #tpu.memory_space<vmem>>
    %dma_start3A_9 = arith.constant 0 : i32
    %dma_start3A_10 = arith.constant 0 : i32
    %dma_start3A_11 = tpu.memref_slice %arg3[%dma_start3A_9, %dma_start3A_10] : memref<1000000x32xf32, #tpu.memory_space<hbm>> -> memref<1000000x32xf32, #tpu.memory_space<hbm>>
    tpu.enqueue_indirect_dma source(%dma_start3A_11 : memref<1000000x32xf32, #tpu.memory_space<hbm>>) target(%dma_start3A_6 : memref<320x32xf32, #tpu.memory_space<vmem>>) offsets(%dma_start3A_8 : memref<320xi32, #tpu.memory_space<vmem>>) semaphore(%arg7 : memref<!tpu.dma_semaphore, #tpu.memory_space<semaphore_mem>>)
    %dma_start3A_12 = arith.constant 1 : i32
    %dma_start3A_13 = arith.constant 0 : i32
    %dma_start3A_14 = arith.constant 0 : i32
    %dma_start3A_15 = tpu.memref_slice %arg6[%dma_start3A_12, %dma_start3A_13, %dma_start3A_14] : memref<10x320x32xf32, #tpu.memory_space<vmem>> -> memref<1x320x32xf32, #tpu.memory_space<vmem>>
    %dma_start3A_16 = tpu.memref_squeeze %dma_start3A_15 : memref<1x320x32xf32, #tpu.memory_space<vmem>> -> memref<320x32xf32, #tpu.memory_space<vmem>>
    %dma_start3A_17 = arith.constant 320 : i32
    %dma_start3A_18 = tpu.memref_slice %arg5[%dma_start3A_17] : memref<25600xi32, #tpu.memory_space<vmem>> -> memref<320xi32, #tpu.memory_space<vmem>>
    %dma_start3A_19 = arith.constant 0 : i32
    %dma_start3A_20 = arith.constant 0 : i32
    %dma_start3A_21 = tpu.memref_slice %arg3[%dma_start3A_19, %dma_start3A_20] : memref<1000000x32xf32, #tpu.memory_space<hbm>> -> memref<1000000x32xf32, #tpu.memory_space<hbm>>
    tpu.enqueue_indirect_dma source(%dma_start3A_21 : memref<1000000x32xf32, #tpu.memory_space<hbm>>) target(%dma_start3A_16 : memref<320x32xf32, #tpu.memory_space<vmem>>) offsets(%dma_start3A_18 : memref<320xi32, #tpu.memory_space<vmem>>) semaphore(%arg8 : memref<!tpu.dma_semaphore, #tpu.memory_space<semaphore_mem>>)
    %dma_start3A_22 = arith.constant 2 : i32
    %dma_start3A_23 = arith.constant 0 : i32
    %dma_start3A_24 = arith.constant 0 : i32
    %dma_start3A_25 = tpu.memref_slice %arg6[%dma_start3A_22, %dma_start3A_23, %dma_start3A_24] : memref<10x320x32xf32, #tpu.memory_space<vmem>> -> memref<1x320x32xf32, #tpu.memory_space<vmem>>
    %dma_start3A_26 = tpu.memref_squeeze %dma_start3A_25 : memref<1x320x32xf32, #tpu.memory_space<vmem>> -> memref<320x32xf32, #tpu.memory_space<vmem>>
    %dma_start3A_27 = arith.constant 640 : i32
    %dma_start3A_28 = tpu.memref_slice %arg5[%dma_start3A_27] : memref<25600xi32, #tpu.memory_space<vmem>> -> memref<320xi32, #tpu.memory_space<vmem>>
    %dma_start3A_29 = arith.constant 0 : i32
    %dma_start3A_30 = arith.constant 0 : i32
    %dma_start3A_31 = tpu.memref_slice %arg3[%dma_start3A_29, %dma_start3A_30] : memref<1000000x32xf32, #tpu.memory_space<hbm>> -> memref<1000000x32xf32, #tpu.memory_space<hbm>>
    tpu.enqueue_indirect_dma source(%dma_start3A_31 : memref<1000000x32xf32, #tpu.memory_space<hbm>>) target(%dma_start3A_26 : memref<320x32xf32, #tpu.memory_space<vmem>>) offsets(%dma_start3A_28 : memref<320xi32, #tpu.memory_space<vmem>>) semaphore(%arg9 : memref<!tpu.dma_semaphore, #tpu.memory_space<semaphore_mem>>)
    %dma_start3A_32 = arith.constant 3 : i32
    %dma_start3A_33 = arith.constant 0 : i32
    %dma_start3A_34 = arith.constant 0 : i32
    %dma_start3A_35 = tpu.memref_slice %arg6[%dma_start3A_32, %dma_start3A_33, %dma_start3A_34] : memref<10x320x32xf32, #tpu.memory_space<vmem>> -> memref<1x320x32xf32, #tpu.memory_space<vmem>>
    %dma_start3A_36 = tpu.memref_squeeze %dma_start3A_35 : memref<1x320x32xf32, #tpu.memory_space<vmem>> -> memref<320x32xf32, #tpu.memory_space<vmem>>
    %dma_start3A_37 = arith.constant 960 : i32
    %dma_start3A_38 = tpu.memref_slice %arg5[%dma_start3A_37] : memref<25600xi32, #tpu.memory_space<vmem>> -> memref<320xi32, #tpu.memory_space<vmem>>
    %dma_start3A_39 = arith.constant 0 : i32
    %dma_start3A_40 = arith.constant 0 : i32
    %dma_start3A_41 = tpu.memref_slice %arg3[%dma_start3A_39, %dma_start3A_40] : memref<1000000x32xf32, #tpu.memory_space<hbm>> -> memref<1000000x32xf32, #tpu.memory_space<hbm>>
    tpu.enqueue_indirect_dma source(%dma_start3A_41 : memref<1000000x32xf32, #tpu.memory_space<hbm>>) target(%dma_start3A_36 : memref<320x32xf32, #tpu.memory_space<vmem>>) offsets(%dma_start3A_38 : memref<320xi32, #tpu.memory_space<vmem>>) semaphore(%arg10 : memref<!tpu.dma_semaphore, #tpu.memory_space<semaphore_mem>>)
    %dma_start3A_42 = arith.constant 4 : i32
    %dma_start3A_43 = arith.constant 0 : i32
    %dma_start3A_44 = arith.constant 0 : i32
    %dma_start3A_45 = tpu.memref_slice %arg6[%dma_start3A_42, %dma_start3A_43, %dma_start3A_44] : memref<10x320x32xf32, #tpu.memory_space<vmem>> -> memref<1x320x32xf32, #tpu.memory_space<vmem>>
    %dma_start3A_46 = tpu.memref_squeeze %dma_start3A_45 : memref<1x320x32xf32, #tpu.memory_space<vmem>> -> memref<320x32xf32, #tpu.memory_space<vmem>>
    %dma_start3A_47 = arith.constant 1280 : i32
    %dma_start3A_48 = tpu.memref_slice %arg5[%dma_start3A_47] : memref<25600xi32, #tpu.memory_space<vmem>> -> memref<320xi32, #tpu.memory_space<vmem>>
    %dma_start3A_49 = arith.constant 0 : i32
    %dma_start3A_50 = arith.constant 0 : i32
    %dma_start3A_51 = tpu.memref_slice %arg3[%dma_start3A_49, %dma_start3A_50] : memref<1000000x32xf32, #tpu.memory_space<hbm>> -> memref<1000000x32xf32, #tpu.memory_space<hbm>>
    tpu.enqueue_indirect_dma source(%dma_start3A_51 : memref<1000000x32xf32, #tpu.memory_space<hbm>>) target(%dma_start3A_46 : memref<320x32xf32, #tpu.memory_space<vmem>>) offsets(%dma_start3A_48 : memref<320xi32, #tpu.memory_space<vmem>>) semaphore(%arg11 : memref<!tpu.dma_semaphore, #tpu.memory_space<semaphore_mem>>)
    %dma_start3A_52 = arith.constant 5 : i32
    %dma_start3A_53 = arith.constant 0 : i32
    %dma_start3A_54 = arith.constant 0 : i32
    %dma_start3A_55 = tpu.memref_slice %arg6[%dma_start3A_52, %dma_start3A_53, %dma_start3A_54] : memref<10x320x32xf32, #tpu.memory_space<vmem>> -> memref<1x320x32xf32, #tpu.memory_space<vmem>>
    %dma_start3A_56 = tpu.memref_squeeze %dma_start3A_55 : memref<1x320x32xf32, #tpu.memory_space<vmem>> -> memref<320x32xf32, #tpu.memory_space<vmem>>
    %dma_start3A_57 = arith.constant 1600 : i32
    %dma_start3A_58 = tpu.memref_slice %arg5[%dma_start3A_57] : memref<25600xi32, #tpu.memory_space<vmem>> -> memref<320xi32, #tpu.memory_space<vmem>>
    %dma_start3A_59 = arith.constant 0 : i32
    %dma_start3A_60 = arith.constant 0 : i32
    %dma_start3A_61 = tpu.memref_slice %arg3[%dma_start3A_59, %dma_start3A_60] : memref<1000000x32xf32, #tpu.memory_space<hbm>> -> memref<1000000x32xf32, #tpu.memory_space<hbm>>
    tpu.enqueue_indirect_dma source(%dma_start3A_61 : memref<1000000x32xf32, #tpu.memory_space<hbm>>) target(%dma_start3A_56 : memref<320x32xf32, #tpu.memory_space<vmem>>) offsets(%dma_start3A_58 : memref<320xi32, #tpu.memory_space<vmem>>) semaphore(%arg12 : memref<!tpu.dma_semaphore, #tpu.memory_space<semaphore_mem>>)
    %dma_start3A_62 = arith.constant 6 : i32
    %dma_start3A_63 = arith.constant 0 : i32
    %dma_start3A_64 = arith.constant 0 : i32
    %dma_start3A_65 = tpu.memref_slice %arg6[%dma_start3A_62, %dma_start3A_63, %dma_start3A_64] : memref<10x320x32xf32, #tpu.memory_space<vmem>> -> memref<1x320x32xf32, #tpu.memory_space<vmem>>
    %dma_start3A_66 = tpu.memref_squeeze %dma_start3A_65 : memref<1x320x32xf32, #tpu.memory_space<vmem>> -> memref<320x32xf32, #tpu.memory_space<vmem>>
    %dma_start3A_67 = arith.constant 1920 : i32
    %dma_start3A_68 = tpu.memref_slice %arg5[%dma_start3A_67] : memref<25600xi32, #tpu.memory_space<vmem>> -> memref<320xi32, #tpu.memory_space<vmem>>
    %dma_start3A_69 = arith.constant 0 : i32
    %dma_start3A_70 = arith.constant 0 : i32
    %dma_start3A_71 = tpu.memref_slice %arg3[%dma_start3A_69, %dma_start3A_70] : memref<1000000x32xf32, #tpu.memory_space<hbm>> -> memref<1000000x32xf32, #tpu.memory_space<hbm>>
    tpu.enqueue_indirect_dma source(%dma_start3A_71 : memref<1000000x32xf32, #tpu.memory_space<hbm>>) target(%dma_start3A_66 : memref<320x32xf32, #tpu.memory_space<vmem>>) offsets(%dma_start3A_68 : memref<320xi32, #tpu.memory_space<vmem>>) semaphore(%arg13 : memref<!tpu.dma_semaphore, #tpu.memory_space<semaphore_mem>>)
    %dma_start3A_72 = arith.constant 7 : i32
    %dma_start3A_73 = arith.constant 0 : i32
    %dma_start3A_74 = arith.constant 0 : i32
    %dma_start3A_75 = tpu.memref_slice %arg6[%dma_start3A_72, %dma_start3A_73, %dma_start3A_74] : memref<10x320x32xf32, #tpu.memory_space<vmem>> -> memref<1x320x32xf32, #tpu.memory_space<vmem>>
    %dma_start3A_76 = tpu.memref_squeeze %dma_start3A_75 : memref<1x320x32xf32, #tpu.memory_space<vmem>> -> memref<320x32xf32, #tpu.memory_space<vmem>>
    %dma_start3A_77 = arith.constant 2240 : i32
    %dma_start3A_78 = tpu.memref_slice %arg5[%dma_start3A_77] : memref<25600xi32, #tpu.memory_space<vmem>> -> memref<320xi32, #tpu.memory_space<vmem>>
    %dma_start3A_79 = arith.constant 0 : i32
    %dma_start3A_80 = arith.constant 0 : i32
    %dma_start3A_81 = tpu.memref_slice %arg3[%dma_start3A_79, %dma_start3A_80] : memref<1000000x32xf32, #tpu.memory_space<hbm>> -> memref<1000000x32xf32, #tpu.memory_space<hbm>>
    tpu.enqueue_indirect_dma source(%dma_start3A_81 : memref<1000000x32xf32, #tpu.memory_space<hbm>>) target(%dma_start3A_76 : memref<320x32xf32, #tpu.memory_space<vmem>>) offsets(%dma_start3A_78 : memref<320xi32, #tpu.memory_space<vmem>>) semaphore(%arg14 : memref<!tpu.dma_semaphore, #tpu.memory_space<semaphore_mem>>)
    %dma_start3A_82 = arith.constant 8 : i32
    %dma_start3A_83 = arith.constant 0 : i32
    %dma_start3A_84 = arith.constant 0 : i32
    %dma_start3A_85 = tpu.memref_slice %arg6[%dma_start3A_82, %dma_start3A_83, %dma_start3A_84] : memref<10x320x32xf32, #tpu.memory_space<vmem>> -> memref<1x320x32xf32, #tpu.memory_space<vmem>>
    %dma_start3A_86 = tpu.memref_squeeze %dma_start3A_85 : memref<1x320x32xf32, #tpu.memory_space<vmem>> -> memref<320x32xf32, #tpu.memory_space<vmem>>
    %dma_start3A_87 = arith.constant 2560 : i32
    %dma_start3A_88 = tpu.memref_slice %arg5[%dma_start3A_87] : memref<25600xi32, #tpu.memory_space<vmem>> -> memref<320xi32, #tpu.memory_space<vmem>>
    %dma_start3A_89 = arith.constant 0 : i32
    %dma_start3A_90 = arith.constant 0 : i32
    %dma_start3A_91 = tpu.memref_slice %arg3[%dma_start3A_89, %dma_start3A_90] : memref<1000000x32xf32, #tpu.memory_space<hbm>> -> memref<1000000x32xf32, #tpu.memory_space<hbm>>
    tpu.enqueue_indirect_dma source(%dma_start3A_91 : memref<1000000x32xf32, #tpu.memory_space<hbm>>) target(%dma_start3A_86 : memref<320x32xf32, #tpu.memory_space<vmem>>) offsets(%dma_start3A_88 : memref<320xi32, #tpu.memory_space<vmem>>) semaphore(%arg15 : memref<!tpu.dma_semaphore, #tpu.memory_space<semaphore_mem>>)
    %dma_start3A_92 = arith.constant 9 : i32
    %dma_start3A_93 = arith.constant 0 : i32
    %dma_start3A_94 = arith.constant 0 : i32
    %dma_start3A_95 = tpu.memref_slice %arg6[%dma_start3A_92, %dma_start3A_93, %dma_start3A_94] : memref<10x320x32xf32, #tpu.memory_space<vmem>> -> memref<1x320x32xf32, #tpu.memory_space<vmem>>
    %dma_start3A_96 = tpu.memref_squeeze %dma_start3A_95 : memref<1x320x32xf32, #tpu.memory_space<vmem>> -> memref<320x32xf32, #tpu.memory_space<vmem>>
    %dma_start3A_97 = arith.constant 2880 : i32
    %dma_start3A_98 = tpu.memref_slice %arg5[%dma_start3A_97] : memref<25600xi32, #tpu.memory_space<vmem>> -> memref<320xi32, #tpu.memory_space<vmem>>
    %dma_start3A_99 = arith.constant 0 : i32
    %dma_start3A_100 = arith.constant 0 : i32
    %dma_start3A_101 = tpu.memref_slice %arg3[%dma_start3A_99, %dma_start3A_100] : memref<1000000x32xf32, #tpu.memory_space<hbm>> -> memref<1000000x32xf32, #tpu.memory_space<hbm>>
    tpu.enqueue_indirect_dma source(%dma_start3A_101 : memref<1000000x32xf32, #tpu.memory_space<hbm>>) target(%dma_start3A_96 : memref<320x32xf32, #tpu.memory_space<vmem>>) offsets(%dma_start3A_98 : memref<320xi32, #tpu.memory_space<vmem>>) semaphore(%arg16 : memref<!tpu.dma_semaphore, #tpu.memory_space<semaphore_mem>>)
    %scan3A = arith.constant 0 : i32
    %scan3A_102 = arith.constant 0 : i32
    %scan3A_103 = arith.constant 7 : i32
    %scan3A_104 = arith.addi %scan3A_102, %scan3A_103 : i32
    %scan3A_105 = arith.constant 1 : i32
    scf.for %scan3A_506 = %scan3A_102 to %scan3A_104 step %scan3A_105  : i32 {
      %mul3A_507 = arith.constant 10 : i32
      %mul3A_508 = arith.muli %scan3A_506, %mul3A_507 : i32
      %add3A_509 = arith.constant 0 : i32
      %add3A_510 = arith.addi %mul3A_508, %add3A_509 : i32
      %mul3A_511 = arith.constant 320 : i32
      %mul3A_512 = arith.muli %add3A_510, %mul3A_511 : i32
      %dma_wait3A_513 = arith.constant 0 : i32
      %dma_wait3A_514 = arith.constant 0 : i32
      %dma_wait3A_515 = arith.constant 0 : i32
      %dma_wait3A_516 = tpu.memref_slice %arg6[%dma_wait3A_513, %dma_wait3A_514, %dma_wait3A_515] : memref<10x320x32xf32, #tpu.memory_space<vmem>> -> memref<1x320x32xf32, #tpu.memory_space<vmem>>
      %dma_wait3A_517 = tpu.memref_squeeze %dma_wait3A_516 : memref<1x320x32xf32, #tpu.memory_space<vmem>> -> memref<320x32xf32, #tpu.memory_space<vmem>>
      %dma_wait3A_518 = tpu.memref_slice %arg5[%mul3A_512] : memref<25600xi32, #tpu.memory_space<vmem>> -> memref<320xi32, #tpu.memory_space<vmem>>
      %dma_wait3A_519 = arith.constant 0 : i32
      %dma_wait3A_520 = arith.constant 0 : i32
      %dma_wait3A_521 = tpu.memref_slice %arg3[%dma_wait3A_519, %dma_wait3A_520] : memref<1000000x32xf32, #tpu.memory_space<hbm>> -> memref<1000000x32xf32, #tpu.memory_space<hbm>>
      tpu.wait_indirect_dma semaphore(%arg7 : memref<!tpu.dma_semaphore, #tpu.memory_space<semaphore_mem>>) src(%dma_wait3A_521 : memref<1000000x32xf32, #tpu.memory_space<hbm>>) dst(%dma_wait3A_517 : memref<320x32xf32, #tpu.memory_space<vmem>>)
      %mul3A_522 = arith.constant 320 : i32
      %mul3A_523 = arith.muli %add3A_510, %mul3A_522 : i32
      %add3A_524 = arith.addi %multiple_of3A, %mul3A_523 : i32
      %dma_start3A_525 = arith.constant 0 : i32
      %dma_start3A_526 = arith.constant 0 : i32
      %dma_start3A_527 = arith.constant 0 : i32
      %dma_start3A_528 = tpu.memref_slice %arg6[%dma_start3A_525, %dma_start3A_526, %dma_start3A_527] : memref<10x320x32xf32, #tpu.memory_space<vmem>> -> memref<1x320x32xf32, #tpu.memory_space<vmem>>
      %dma_start3A_529 = tpu.memref_squeeze %dma_start3A_528 : memref<1x320x32xf32, #tpu.memory_space<vmem>> -> memref<320x32xf32, #tpu.memory_space<vmem>>
      %dma_start3A_530 = arith.constant 0 : i32
      %dma_start3A_531 = tpu.memref_slice %arg4[%add3A_524, %dma_start3A_530] : memref<819200x32xf32, #tpu.memory_space<hbm>> -> memref<320x32xf32, #tpu.memory_space<hbm>>
      %dma_start3A_532 = arith.constant 0 : i32
      %dma_start3A_533 = tpu.memref_slice %arg4[%add3A_524, %dma_start3A_532] : memref<819200x32xf32, #tpu.memory_space<hbm>> -> memref<320x32xf32, #tpu.memory_space<hbm>>
      %dma_start3A_534 = arith.constant 0 : i32
      %dma_start3A_535 = arith.constant 0 : i32
      %dma_start3A_536 = tpu.memref_slice %arg6[%dma_start3A_525, %dma_start3A_534, %dma_start3A_535] : memref<10x320x32xf32, #tpu.memory_space<vmem>> -> memref<1x320x32xf32, #tpu.memory_space<vmem>>
      %dma_start3A_537 = tpu.memref_squeeze %dma_start3A_536 : memref<1x320x32xf32, #tpu.memory_space<vmem>> -> memref<320x32xf32, #tpu.memory_space<vmem>>
      tpu.enqueue_dma source(%dma_start3A_537 : memref<320x32xf32, #tpu.memory_space<vmem>>) target(%dma_start3A_533 : memref<320x32xf32, #tpu.memory_space<hbm>>) target_semaphore(%arg17 : memref<!tpu.dma_semaphore, #tpu.memory_space<semaphore_mem>>)
      %mul3A_538 = arith.constant 10 : i32
      %mul3A_539 = arith.muli %scan3A_506, %mul3A_538 : i32
      %add3A_540 = arith.constant 1 : i32
      %add3A_541 = arith.addi %mul3A_539, %add3A_540 : i32
      %mul3A_542 = arith.constant 320 : i32
      %mul3A_543 = arith.muli %add3A_541, %mul3A_542 : i32
      %dma_wait3A_544 = arith.constant 1 : i32
      %dma_wait3A_545 = arith.constant 0 : i32
      %dma_wait3A_546 = arith.constant 0 : i32
      %dma_wait3A_547 = tpu.memref_slice %arg6[%dma_wait3A_544, %dma_wait3A_545, %dma_wait3A_546] : memref<10x320x32xf32, #tpu.memory_space<vmem>> -> memref<1x320x32xf32, #tpu.memory_space<vmem>>
      %dma_wait3A_548 = tpu.memref_squeeze %dma_wait3A_547 : memref<1x320x32xf32, #tpu.memory_space<vmem>> -> memref<320x32xf32, #tpu.memory_space<vmem>>
      %dma_wait3A_549 = tpu.memref_slice %arg5[%mul3A_543] : memref<25600xi32, #tpu.memory_space<vmem>> -> memref<320xi32, #tpu.memory_space<vmem>>
      %dma_wait3A_550 = arith.constant 0 : i32
      %dma_wait3A_551 = arith.constant 0 : i32
      %dma_wait3A_552 = tpu.memref_slice %arg3[%dma_wait3A_550, %dma_wait3A_551] : memref<1000000x32xf32, #tpu.memory_space<hbm>> -> memref<1000000x32xf32, #tpu.memory_space<hbm>>
      tpu.wait_indirect_dma semaphore(%arg8 : memref<!tpu.dma_semaphore, #tpu.memory_space<semaphore_mem>>) src(%dma_wait3A_552 : memref<1000000x32xf32, #tpu.memory_space<hbm>>) dst(%dma_wait3A_548 : memref<320x32xf32, #tpu.memory_space<vmem>>)
      %mul3A_553 = arith.constant 320 : i32
      %mul3A_554 = arith.muli %add3A_541, %mul3A_553 : i32
      %add3A_555 = arith.addi %multiple_of3A, %mul3A_554 : i32
      %dma_start3A_556 = arith.constant 1 : i32
      %dma_start3A_557 = arith.constant 0 : i32
      %dma_start3A_558 = arith.constant 0 : i32
      %dma_start3A_559 = tpu.memref_slice %arg6[%dma_start3A_556, %dma_start3A_557, %dma_start3A_558] : memref<10x320x32xf32, #tpu.memory_space<vmem>> -> memref<1x320x32xf32, #tpu.memory_space<vmem>>
      %dma_start3A_560 = tpu.memref_squeeze %dma_start3A_559 : memref<1x320x32xf32, #tpu.memory_space<vmem>> -> memref<320x32xf32, #tpu.memory_space<vmem>>
      %dma_start3A_561 = arith.constant 0 : i32
      %dma_start3A_562 = tpu.memref_slice %arg4[%add3A_555, %dma_start3A_561] : memref<819200x32xf32, #tpu.memory_space<hbm>> -> memref<320x32xf32, #tpu.memory_space<hbm>>
      %dma_start3A_563 = arith.constant 0 : i32
      %dma_start3A_564 = tpu.memref_slice %arg4[%add3A_555, %dma_start3A_563] : memref<819200x32xf32, #tpu.memory_space<hbm>> -> memref<320x32xf32, #tpu.memory_space<hbm>>
      %dma_start3A_565 = arith.constant 0 : i32
      %dma_start3A_566 = arith.constant 0 : i32
      %dma_start3A_567 = tpu.memref_slice %arg6[%dma_start3A_556, %dma_start3A_565, %dma_start3A_566] : memref<10x320x32xf32, #tpu.memory_space<vmem>> -> memref<1x320x32xf32, #tpu.memory_space<vmem>>
      %dma_start3A_568 = tpu.memref_squeeze %dma_start3A_567 : memref<1x320x32xf32, #tpu.memory_space<vmem>> -> memref<320x32xf32, #tpu.memory_space<vmem>>
      tpu.enqueue_dma source(%dma_start3A_568 : memref<320x32xf32, #tpu.memory_space<vmem>>) target(%dma_start3A_564 : memref<320x32xf32, #tpu.memory_space<hbm>>) target_semaphore(%arg18 : memref<!tpu.dma_semaphore, #tpu.memory_space<semaphore_mem>>)
      %mul3A_569 = arith.constant 10 : i32
      %mul3A_570 = arith.muli %scan3A_506, %mul3A_569 : i32
      %add3A_571 = arith.constant 2 : i32
      %add3A_572 = arith.addi %mul3A_570, %add3A_571 : i32
      %mul3A_573 = arith.constant 320 : i32
      %mul3A_574 = arith.muli %add3A_572, %mul3A_573 : i32
      %dma_wait3A_575 = arith.constant 2 : i32
      %dma_wait3A_576 = arith.constant 0 : i32
      %dma_wait3A_577 = arith.constant 0 : i32
      %dma_wait3A_578 = tpu.memref_slice %arg6[%dma_wait3A_575, %dma_wait3A_576, %dma_wait3A_577] : memref<10x320x32xf32, #tpu.memory_space<vmem>> -> memref<1x320x32xf32, #tpu.memory_space<vmem>>
      %dma_wait3A_579 = tpu.memref_squeeze %dma_wait3A_578 : memref<1x320x32xf32, #tpu.memory_space<vmem>> -> memref<320x32xf32, #tpu.memory_space<vmem>>
      %dma_wait3A_580 = tpu.memref_slice %arg5[%mul3A_574] : memref<25600xi32, #tpu.memory_space<vmem>> -> memref<320xi32, #tpu.memory_space<vmem>>
      %dma_wait3A_581 = arith.constant 0 : i32
      %dma_wait3A_582 = arith.constant 0 : i32
      %dma_wait3A_583 = tpu.memref_slice %arg3[%dma_wait3A_581, %dma_wait3A_582] : memref<1000000x32xf32, #tpu.memory_space<hbm>> -> memref<1000000x32xf32, #tpu.memory_space<hbm>>
      tpu.wait_indirect_dma semaphore(%arg9 : memref<!tpu.dma_semaphore, #tpu.memory_space<semaphore_mem>>) src(%dma_wait3A_583 : memref<1000000x32xf32, #tpu.memory_space<hbm>>) dst(%dma_wait3A_579 : memref<320x32xf32, #tpu.memory_space<vmem>>)
      %mul3A_584 = arith.constant 320 : i32
      %mul3A_585 = arith.muli %add3A_572, %mul3A_584 : i32
      %add3A_586 = arith.addi %multiple_of3A, %mul3A_585 : i32
      %dma_start3A_587 = arith.constant 2 : i32
      %dma_start3A_588 = arith.constant 0 : i32
      %dma_start3A_589 = arith.constant 0 : i32
      %dma_start3A_590 = tpu.memref_slice %arg6[%dma_start3A_587, %dma_start3A_588, %dma_start3A_589] : memref<10x320x32xf32, #tpu.memory_space<vmem>> -> memref<1x320x32xf32, #tpu.memory_space<vmem>>
      %dma_start3A_591 = tpu.memref_squeeze %dma_start3A_590 : memref<1x320x32xf32, #tpu.memory_space<vmem>> -> memref<320x32xf32, #tpu.memory_space<vmem>>
      %dma_start3A_592 = arith.constant 0 : i32
      %dma_start3A_593 = tpu.memref_slice %arg4[%add3A_586, %dma_start3A_592] : memref<819200x32xf32, #tpu.memory_space<hbm>> -> memref<320x32xf32, #tpu.memory_space<hbm>>
      %dma_start3A_594 = arith.constant 0 : i32
      %dma_start3A_595 = tpu.memref_slice %arg4[%add3A_586, %dma_start3A_594] : memref<819200x32xf32, #tpu.memory_space<hbm>> -> memref<320x32xf32, #tpu.memory_space<hbm>>
      %dma_start3A_596 = arith.constant 0 : i32
      %dma_start3A_597 = arith.constant 0 : i32
      %dma_start3A_598 = tpu.memref_slice %arg6[%dma_start3A_587, %dma_start3A_596, %dma_start3A_597] : memref<10x320x32xf32, #tpu.memory_space<vmem>> -> memref<1x320x32xf32, #tpu.memory_space<vmem>>
      %dma_start3A_599 = tpu.memref_squeeze %dma_start3A_598 : memref<1x320x32xf32, #tpu.memory_space<vmem>> -> memref<320x32xf32, #tpu.memory_space<vmem>>
      tpu.enqueue_dma source(%dma_start3A_599 : memref<320x32xf32, #tpu.memory_space<vmem>>) target(%dma_start3A_595 : memref<320x32xf32, #tpu.memory_space<hbm>>) target_semaphore(%arg19 : memref<!tpu.dma_semaphore, #tpu.memory_space<semaphore_mem>>)
      %mul3A_600 = arith.constant 10 : i32
      %mul3A_601 = arith.muli %scan3A_506, %mul3A_600 : i32
      %add3A_602 = arith.constant 3 : i32
      %add3A_603 = arith.addi %mul3A_601, %add3A_602 : i32
      %mul3A_604 = arith.constant 320 : i32
      %mul3A_605 = arith.muli %add3A_603, %mul3A_604 : i32
      %dma_wait3A_606 = arith.constant 3 : i32
      %dma_wait3A_607 = arith.constant 0 : i32
      %dma_wait3A_608 = arith.constant 0 : i32
      %dma_wait3A_609 = tpu.memref_slice %arg6[%dma_wait3A_606, %dma_wait3A_607, %dma_wait3A_608] : memref<10x320x32xf32, #tpu.memory_space<vmem>> -> memref<1x320x32xf32, #tpu.memory_space<vmem>>
      %dma_wait3A_610 = tpu.memref_squeeze %dma_wait3A_609 : memref<1x320x32xf32, #tpu.memory_space<vmem>> -> memref<320x32xf32, #tpu.memory_space<vmem>>
      %dma_wait3A_611 = tpu.memref_slice %arg5[%mul3A_605] : memref<25600xi32, #tpu.memory_space<vmem>> -> memref<320xi32, #tpu.memory_space<vmem>>
      %dma_wait3A_612 = arith.constant 0 : i32
      %dma_wait3A_613 = arith.constant 0 : i32
      %dma_wait3A_614 = tpu.memref_slice %arg3[%dma_wait3A_612, %dma_wait3A_613] : memref<1000000x32xf32, #tpu.memory_space<hbm>> -> memref<1000000x32xf32, #tpu.memory_space<hbm>>
      tpu.wait_indirect_dma semaphore(%arg10 : memref<!tpu.dma_semaphore, #tpu.memory_space<semaphore_mem>>) src(%dma_wait3A_614 : memref<1000000x32xf32, #tpu.memory_space<hbm>>) dst(%dma_wait3A_610 : memref<320x32xf32, #tpu.memory_space<vmem>>)
      %mul3A_615 = arith.constant 320 : i32
      %mul3A_616 = arith.muli %add3A_603, %mul3A_615 : i32
      %add3A_617 = arith.addi %multiple_of3A, %mul3A_616 : i32
      %dma_start3A_618 = arith.constant 3 : i32
      %dma_start3A_619 = arith.constant 0 : i32
      %dma_start3A_620 = arith.constant 0 : i32
      %dma_start3A_621 = tpu.memref_slice %arg6[%dma_start3A_618, %dma_start3A_619, %dma_start3A_620] : memref<10x320x32xf32, #tpu.memory_space<vmem>> -> memref<1x320x32xf32, #tpu.memory_space<vmem>>
      %dma_start3A_622 = tpu.memref_squeeze %dma_start3A_621 : memref<1x320x32xf32, #tpu.memory_space<vmem>> -> memref<320x32xf32, #tpu.memory_space<vmem>>
      %dma_start3A_623 = arith.constant 0 : i32
      %dma_start3A_624 = tpu.memref_slice %arg4[%add3A_617, %dma_start3A_623] : memref<819200x32xf32, #tpu.memory_space<hbm>> -> memref<320x32xf32, #tpu.memory_space<hbm>>
      %dma_start3A_625 = arith.constant 0 : i32
      %dma_start3A_626 = tpu.memref_slice %arg4[%add3A_617, %dma_start3A_625] : memref<819200x32xf32, #tpu.memory_space<hbm>> -> memref<320x32xf32, #tpu.memory_space<hbm>>
      %dma_start3A_627 = arith.constant 0 : i32
      %dma_start3A_628 = arith.constant 0 : i32
      %dma_start3A_629 = tpu.memref_slice %arg6[%dma_start3A_618, %dma_start3A_627, %dma_start3A_628] : memref<10x320x32xf32, #tpu.memory_space<vmem>> -> memref<1x320x32xf32, #tpu.memory_space<vmem>>
      %dma_start3A_630 = tpu.memref_squeeze %dma_start3A_629 : memref<1x320x32xf32, #tpu.memory_space<vmem>> -> memref<320x32xf32, #tpu.memory_space<vmem>>
      tpu.enqueue_dma source(%dma_start3A_630 : memref<320x32xf32, #tpu.memory_space<vmem>>) target(%dma_start3A_626 : memref<320x32xf32, #tpu.memory_space<hbm>>) target_semaphore(%arg20 : memref<!tpu.dma_semaphore, #tpu.memory_space<semaphore_mem>>)
      %mul3A_631 = arith.constant 10 : i32
      %mul3A_632 = arith.muli %scan3A_506, %mul3A_631 : i32
      %add3A_633 = arith.constant 4 : i32
      %add3A_634 = arith.addi %mul3A_632, %add3A_633 : i32
      %mul3A_635 = arith.constant 320 : i32
      %mul3A_636 = arith.muli %add3A_634, %mul3A_635 : i32
      %dma_wait3A_637 = arith.constant 4 : i32
      %dma_wait3A_638 = arith.constant 0 : i32
      %dma_wait3A_639 = arith.constant 0 : i32
      %dma_wait3A_640 = tpu.memref_slice %arg6[%dma_wait3A_637, %dma_wait3A_638, %dma_wait3A_639] : memref<10x320x32xf32, #tpu.memory_space<vmem>> -> memref<1x320x32xf32, #tpu.memory_space<vmem>>
      %dma_wait3A_641 = tpu.memref_squeeze %dma_wait3A_640 : memref<1x320x32xf32, #tpu.memory_space<vmem>> -> memref<320x32xf32, #tpu.memory_space<vmem>>
      %dma_wait3A_642 = tpu.memref_slice %arg5[%mul3A_636] : memref<25600xi32, #tpu.memory_space<vmem>> -> memref<320xi32, #tpu.memory_space<vmem>>
      %dma_wait3A_643 = arith.constant 0 : i32
      %dma_wait3A_644 = arith.constant 0 : i32
      %dma_wait3A_645 = tpu.memref_slice %arg3[%dma_wait3A_643, %dma_wait3A_644] : memref<1000000x32xf32, #tpu.memory_space<hbm>> -> memref<1000000x32xf32, #tpu.memory_space<hbm>>
      tpu.wait_indirect_dma semaphore(%arg11 : memref<!tpu.dma_semaphore, #tpu.memory_space<semaphore_mem>>) src(%dma_wait3A_645 : memref<1000000x32xf32, #tpu.memory_space<hbm>>) dst(%dma_wait3A_641 : memref<320x32xf32, #tpu.memory_space<vmem>>)
      %mul3A_646 = arith.constant 320 : i32
      %mul3A_647 = arith.muli %add3A_634, %mul3A_646 : i32
      %add3A_648 = arith.addi %multiple_of3A, %mul3A_647 : i32
      %dma_start3A_649 = arith.constant 4 : i32
      %dma_start3A_650 = arith.constant 0 : i32
      %dma_start3A_651 = arith.constant 0 : i32
      %dma_start3A_652 = tpu.memref_slice %arg6[%dma_start3A_649, %dma_start3A_650, %dma_start3A_651] : memref<10x320x32xf32, #tpu.memory_space<vmem>> -> memref<1x320x32xf32, #tpu.memory_space<vmem>>
      %dma_start3A_653 = tpu.memref_squeeze %dma_start3A_652 : memref<1x320x32xf32, #tpu.memory_space<vmem>> -> memref<320x32xf32, #tpu.memory_space<vmem>>
      %dma_start3A_654 = arith.constant 0 : i32
      %dma_start3A_655 = tpu.memref_slice %arg4[%add3A_648, %dma_start3A_654] : memref<819200x32xf32, #tpu.memory_space<hbm>> -> memref<320x32xf32, #tpu.memory_space<hbm>>
      %dma_start3A_656 = arith.constant 0 : i32
      %dma_start3A_657 = tpu.memref_slice %arg4[%add3A_648, %dma_start3A_656] : memref<819200x32xf32, #tpu.memory_space<hbm>> -> memref<320x32xf32, #tpu.memory_space<hbm>>
      %dma_start3A_658 = arith.constant 0 : i32
      %dma_start3A_659 = arith.constant 0 : i32
      %dma_start3A_660 = tpu.memref_slice %arg6[%dma_start3A_649, %dma_start3A_658, %dma_start3A_659] : memref<10x320x32xf32, #tpu.memory_space<vmem>> -> memref<1x320x32xf32, #tpu.memory_space<vmem>>
      %dma_start3A_661 = tpu.memref_squeeze %dma_start3A_660 : memref<1x320x32xf32, #tpu.memory_space<vmem>> -> memref<320x32xf32, #tpu.memory_space<vmem>>
      tpu.enqueue_dma source(%dma_start3A_661 : memref<320x32xf32, #tpu.memory_space<vmem>>) target(%dma_start3A_657 : memref<320x32xf32, #tpu.memory_space<hbm>>) target_semaphore(%arg21 : memref<!tpu.dma_semaphore, #tpu.memory_space<semaphore_mem>>)
      %mul3A_662 = arith.constant 10 : i32
      %mul3A_663 = arith.muli %scan3A_506, %mul3A_662 : i32
      %add3A_664 = arith.constant 5 : i32
      %add3A_665 = arith.addi %mul3A_663, %add3A_664 : i32
      %mul3A_666 = arith.constant 320 : i32
      %mul3A_667 = arith.muli %add3A_665, %mul3A_666 : i32
      %dma_wait3A_668 = arith.constant 5 : i32
      %dma_wait3A_669 = arith.constant 0 : i32
      %dma_wait3A_670 = arith.constant 0 : i32
      %dma_wait3A_671 = tpu.memref_slice %arg6[%dma_wait3A_668, %dma_wait3A_669, %dma_wait3A_670] : memref<10x320x32xf32, #tpu.memory_space<vmem>> -> memref<1x320x32xf32, #tpu.memory_space<vmem>>
      %dma_wait3A_672 = tpu.memref_squeeze %dma_wait3A_671 : memref<1x320x32xf32, #tpu.memory_space<vmem>> -> memref<320x32xf32, #tpu.memory_space<vmem>>
      %dma_wait3A_673 = tpu.memref_slice %arg5[%mul3A_667] : memref<25600xi32, #tpu.memory_space<vmem>> -> memref<320xi32, #tpu.memory_space<vmem>>
      %dma_wait3A_674 = arith.constant 0 : i32
      %dma_wait3A_675 = arith.constant 0 : i32
      %dma_wait3A_676 = tpu.memref_slice %arg3[%dma_wait3A_674, %dma_wait3A_675] : memref<1000000x32xf32, #tpu.memory_space<hbm>> -> memref<1000000x32xf32, #tpu.memory_space<hbm>>
      tpu.wait_indirect_dma semaphore(%arg12 : memref<!tpu.dma_semaphore, #tpu.memory_space<semaphore_mem>>) src(%dma_wait3A_676 : memref<1000000x32xf32, #tpu.memory_space<hbm>>) dst(%dma_wait3A_672 : memref<320x32xf32, #tpu.memory_space<vmem>>)
      %mul3A_677 = arith.constant 320 : i32
      %mul3A_678 = arith.muli %add3A_665, %mul3A_677 : i32
      %add3A_679 = arith.addi %multiple_of3A, %mul3A_678 : i32
      %dma_start3A_680 = arith.constant 5 : i32
      %dma_start3A_681 = arith.constant 0 : i32
      %dma_start3A_682 = arith.constant 0 : i32
      %dma_start3A_683 = tpu.memref_slice %arg6[%dma_start3A_680, %dma_start3A_681, %dma_start3A_682] : memref<10x320x32xf32, #tpu.memory_space<vmem>> -> memref<1x320x32xf32, #tpu.memory_space<vmem>>
      %dma_start3A_684 = tpu.memref_squeeze %dma_start3A_683 : memref<1x320x32xf32, #tpu.memory_space<vmem>> -> memref<320x32xf32, #tpu.memory_space<vmem>>
      %dma_start3A_685 = arith.constant 0 : i32
      %dma_start3A_686 = tpu.memref_slice %arg4[%add3A_679, %dma_start3A_685] : memref<819200x32xf32, #tpu.memory_space<hbm>> -> memref<320x32xf32, #tpu.memory_space<hbm>>
      %dma_start3A_687 = arith.constant 0 : i32
      %dma_start3A_688 = tpu.memref_slice %arg4[%add3A_679, %dma_start3A_687] : memref<819200x32xf32, #tpu.memory_space<hbm>> -> memref<320x32xf32, #tpu.memory_space<hbm>>
      %dma_start3A_689 = arith.constant 0 : i32
      %dma_start3A_690 = arith.constant 0 : i32
      %dma_start3A_691 = tpu.memref_slice %arg6[%dma_start3A_680, %dma_start3A_689, %dma_start3A_690] : memref<10x320x32xf32, #tpu.memory_space<vmem>> -> memref<1x320x32xf32, #tpu.memory_space<vmem>>
      %dma_start3A_692 = tpu.memref_squeeze %dma_start3A_691 : memref<1x320x32xf32, #tpu.memory_space<vmem>> -> memref<320x32xf32, #tpu.memory_space<vmem>>
      tpu.enqueue_dma source(%dma_start3A_692 : memref<320x32xf32, #tpu.memory_space<vmem>>) target(%dma_start3A_688 : memref<320x32xf32, #tpu.memory_space<hbm>>) target_semaphore(%arg22 : memref<!tpu.dma_semaphore, #tpu.memory_space<semaphore_mem>>)
      %mul3A_693 = arith.constant 10 : i32
      %mul3A_694 = arith.muli %scan3A_506, %mul3A_693 : i32
      %add3A_695 = arith.constant 6 : i32
      %add3A_696 = arith.addi %mul3A_694, %add3A_695 : i32
      %mul3A_697 = arith.constant 320 : i32
      %mul3A_698 = arith.muli %add3A_696, %mul3A_697 : i32
      %dma_wait3A_699 = arith.constant 6 : i32
      %dma_wait3A_700 = arith.constant 0 : i32
      %dma_wait3A_701 = arith.constant 0 : i32
      %dma_wait3A_702 = tpu.memref_slice %arg6[%dma_wait3A_699, %dma_wait3A_700, %dma_wait3A_701] : memref<10x320x32xf32, #tpu.memory_space<vmem>> -> memref<1x320x32xf32, #tpu.memory_space<vmem>>
      %dma_wait3A_703 = tpu.memref_squeeze %dma_wait3A_702 : memref<1x320x32xf32, #tpu.memory_space<vmem>> -> memref<320x32xf32, #tpu.memory_space<vmem>>
      %dma_wait3A_704 = tpu.memref_slice %arg5[%mul3A_698] : memref<25600xi32, #tpu.memory_space<vmem>> -> memref<320xi32, #tpu.memory_space<vmem>>
      %dma_wait3A_705 = arith.constant 0 : i32
      %dma_wait3A_706 = arith.constant 0 : i32
      %dma_wait3A_707 = tpu.memref_slice %arg3[%dma_wait3A_705, %dma_wait3A_706] : memref<1000000x32xf32, #tpu.memory_space<hbm>> -> memref<1000000x32xf32, #tpu.memory_space<hbm>>
      tpu.wait_indirect_dma semaphore(%arg13 : memref<!tpu.dma_semaphore, #tpu.memory_space<semaphore_mem>>) src(%dma_wait3A_707 : memref<1000000x32xf32, #tpu.memory_space<hbm>>) dst(%dma_wait3A_703 : memref<320x32xf32, #tpu.memory_space<vmem>>)
      %mul3A_708 = arith.constant 320 : i32
      %mul3A_709 = arith.muli %add3A_696, %mul3A_708 : i32
      %add3A_710 = arith.addi %multiple_of3A, %mul3A_709 : i32
      %dma_start3A_711 = arith.constant 6 : i32
      %dma_start3A_712 = arith.constant 0 : i32
      %dma_start3A_713 = arith.constant 0 : i32
      %dma_start3A_714 = tpu.memref_slice %arg6[%dma_start3A_711, %dma_start3A_712, %dma_start3A_713] : memref<10x320x32xf32, #tpu.memory_space<vmem>> -> memref<1x320x32xf32, #tpu.memory_space<vmem>>
      %dma_start3A_715 = tpu.memref_squeeze %dma_start3A_714 : memref<1x320x32xf32, #tpu.memory_space<vmem>> -> memref<320x32xf32, #tpu.memory_space<vmem>>
      %dma_start3A_716 = arith.constant 0 : i32
      %dma_start3A_717 = tpu.memref_slice %arg4[%add3A_710, %dma_start3A_716] : memref<819200x32xf32, #tpu.memory_space<hbm>> -> memref<320x32xf32, #tpu.memory_space<hbm>>
      %dma_start3A_718 = arith.constant 0 : i32
      %dma_start3A_719 = tpu.memref_slice %arg4[%add3A_710, %dma_start3A_718] : memref<819200x32xf32, #tpu.memory_space<hbm>> -> memref<320x32xf32, #tpu.memory_space<hbm>>
      %dma_start3A_720 = arith.constant 0 : i32
      %dma_start3A_721 = arith.constant 0 : i32
      %dma_start3A_722 = tpu.memref_slice %arg6[%dma_start3A_711, %dma_start3A_720, %dma_start3A_721] : memref<10x320x32xf32, #tpu.memory_space<vmem>> -> memref<1x320x32xf32, #tpu.memory_space<vmem>>
      %dma_start3A_723 = tpu.memref_squeeze %dma_start3A_722 : memref<1x320x32xf32, #tpu.memory_space<vmem>> -> memref<320x32xf32, #tpu.memory_space<vmem>>
      tpu.enqueue_dma source(%dma_start3A_723 : memref<320x32xf32, #tpu.memory_space<vmem>>) target(%dma_start3A_719 : memref<320x32xf32, #tpu.memory_space<hbm>>) target_semaphore(%arg23 : memref<!tpu.dma_semaphore, #tpu.memory_space<semaphore_mem>>)
      %mul3A_724 = arith.constant 10 : i32
      %mul3A_725 = arith.muli %scan3A_506, %mul3A_724 : i32
      %add3A_726 = arith.constant 7 : i32
      %add3A_727 = arith.addi %mul3A_725, %add3A_726 : i32
      %mul3A_728 = arith.constant 320 : i32
      %mul3A_729 = arith.muli %add3A_727, %mul3A_728 : i32
      %dma_wait3A_730 = arith.constant 7 : i32
      %dma_wait3A_731 = arith.constant 0 : i32
      %dma_wait3A_732 = arith.constant 0 : i32
      %dma_wait3A_733 = tpu.memref_slice %arg6[%dma_wait3A_730, %dma_wait3A_731, %dma_wait3A_732] : memref<10x320x32xf32, #tpu.memory_space<vmem>> -> memref<1x320x32xf32, #tpu.memory_space<vmem>>
      %dma_wait3A_734 = tpu.memref_squeeze %dma_wait3A_733 : memref<1x320x32xf32, #tpu.memory_space<vmem>> -> memref<320x32xf32, #tpu.memory_space<vmem>>
      %dma_wait3A_735 = tpu.memref_slice %arg5[%mul3A_729] : memref<25600xi32, #tpu.memory_space<vmem>> -> memref<320xi32, #tpu.memory_space<vmem>>
      %dma_wait3A_736 = arith.constant 0 : i32
      %dma_wait3A_737 = arith.constant 0 : i32
      %dma_wait3A_738 = tpu.memref_slice %arg3[%dma_wait3A_736, %dma_wait3A_737] : memref<1000000x32xf32, #tpu.memory_space<hbm>> -> memref<1000000x32xf32, #tpu.memory_space<hbm>>
      tpu.wait_indirect_dma semaphore(%arg14 : memref<!tpu.dma_semaphore, #tpu.memory_space<semaphore_mem>>) src(%dma_wait3A_738 : memref<1000000x32xf32, #tpu.memory_space<hbm>>) dst(%dma_wait3A_734 : memref<320x32xf32, #tpu.memory_space<vmem>>)
      %mul3A_739 = arith.constant 320 : i32
      %mul3A_740 = arith.muli %add3A_727, %mul3A_739 : i32
      %add3A_741 = arith.addi %multiple_of3A, %mul3A_740 : i32
      %dma_start3A_742 = arith.constant 7 : i32
      %dma_start3A_743 = arith.constant 0 : i32
      %dma_start3A_744 = arith.constant 0 : i32
      %dma_start3A_745 = tpu.memref_slice %arg6[%dma_start3A_742, %dma_start3A_743, %dma_start3A_744] : memref<10x320x32xf32, #tpu.memory_space<vmem>> -> memref<1x320x32xf32, #tpu.memory_space<vmem>>
      %dma_start3A_746 = tpu.memref_squeeze %dma_start3A_745 : memref<1x320x32xf32, #tpu.memory_space<vmem>> -> memref<320x32xf32, #tpu.memory_space<vmem>>
      %dma_start3A_747 = arith.constant 0 : i32
      %dma_start3A_748 = tpu.memref_slice %arg4[%add3A_741, %dma_start3A_747] : memref<819200x32xf32, #tpu.memory_space<hbm>> -> memref<320x32xf32, #tpu.memory_space<hbm>>
      %dma_start3A_749 = arith.constant 0 : i32
      %dma_start3A_750 = tpu.memref_slice %arg4[%add3A_741, %dma_start3A_749] : memref<819200x32xf32, #tpu.memory_space<hbm>> -> memref<320x32xf32, #tpu.memory_space<hbm>>
      %dma_start3A_751 = arith.constant 0 : i32
      %dma_start3A_752 = arith.constant 0 : i32
      %dma_start3A_753 = tpu.memref_slice %arg6[%dma_start3A_742, %dma_start3A_751, %dma_start3A_752] : memref<10x320x32xf32, #tpu.memory_space<vmem>> -> memref<1x320x32xf32, #tpu.memory_space<vmem>>
      %dma_start3A_754 = tpu.memref_squeeze %dma_start3A_753 : memref<1x320x32xf32, #tpu.memory_space<vmem>> -> memref<320x32xf32, #tpu.memory_space<vmem>>
      tpu.enqueue_dma source(%dma_start3A_754 : memref<320x32xf32, #tpu.memory_space<vmem>>) target(%dma_start3A_750 : memref<320x32xf32, #tpu.memory_space<hbm>>) target_semaphore(%arg24 : memref<!tpu.dma_semaphore, #tpu.memory_space<semaphore_mem>>)
      %mul3A_755 = arith.constant 10 : i32
      %mul3A_756 = arith.muli %scan3A_506, %mul3A_755 : i32
      %add3A_757 = arith.constant 8 : i32
      %add3A_758 = arith.addi %mul3A_756, %add3A_757 : i32
      %mul3A_759 = arith.constant 320 : i32
      %mul3A_760 = arith.muli %add3A_758, %mul3A_759 : i32
      %dma_wait3A_761 = arith.constant 8 : i32
      %dma_wait3A_762 = arith.constant 0 : i32
      %dma_wait3A_763 = arith.constant 0 : i32
      %dma_wait3A_764 = tpu.memref_slice %arg6[%dma_wait3A_761, %dma_wait3A_762, %dma_wait3A_763] : memref<10x320x32xf32, #tpu.memory_space<vmem>> -> memref<1x320x32xf32, #tpu.memory_space<vmem>>
      %dma_wait3A_765 = tpu.memref_squeeze %dma_wait3A_764 : memref<1x320x32xf32, #tpu.memory_space<vmem>> -> memref<320x32xf32, #tpu.memory_space<vmem>>
      %dma_wait3A_766 = tpu.memref_slice %arg5[%mul3A_760] : memref<25600xi32, #tpu.memory_space<vmem>> -> memref<320xi32, #tpu.memory_space<vmem>>
      %dma_wait3A_767 = arith.constant 0 : i32
      %dma_wait3A_768 = arith.constant 0 : i32
      %dma_wait3A_769 = tpu.memref_slice %arg3[%dma_wait3A_767, %dma_wait3A_768] : memref<1000000x32xf32, #tpu.memory_space<hbm>> -> memref<1000000x32xf32, #tpu.memory_space<hbm>>
      tpu.wait_indirect_dma semaphore(%arg15 : memref<!tpu.dma_semaphore, #tpu.memory_space<semaphore_mem>>) src(%dma_wait3A_769 : memref<1000000x32xf32, #tpu.memory_space<hbm>>) dst(%dma_wait3A_765 : memref<320x32xf32, #tpu.memory_space<vmem>>)
      %mul3A_770 = arith.constant 320 : i32
      %mul3A_771 = arith.muli %add3A_758, %mul3A_770 : i32
      %add3A_772 = arith.addi %multiple_of3A, %mul3A_771 : i32
      %dma_start3A_773 = arith.constant 8 : i32
      %dma_start3A_774 = arith.constant 0 : i32
      %dma_start3A_775 = arith.constant 0 : i32
      %dma_start3A_776 = tpu.memref_slice %arg6[%dma_start3A_773, %dma_start3A_774, %dma_start3A_775] : memref<10x320x32xf32, #tpu.memory_space<vmem>> -> memref<1x320x32xf32, #tpu.memory_space<vmem>>
      %dma_start3A_777 = tpu.memref_squeeze %dma_start3A_776 : memref<1x320x32xf32, #tpu.memory_space<vmem>> -> memref<320x32xf32, #tpu.memory_space<vmem>>
      %dma_start3A_778 = arith.constant 0 : i32
      %dma_start3A_779 = tpu.memref_slice %arg4[%add3A_772, %dma_start3A_778] : memref<819200x32xf32, #tpu.memory_space<hbm>> -> memref<320x32xf32, #tpu.memory_space<hbm>>
      %dma_start3A_780 = arith.constant 0 : i32
      %dma_start3A_781 = tpu.memref_slice %arg4[%add3A_772, %dma_start3A_780] : memref<819200x32xf32, #tpu.memory_space<hbm>> -> memref<320x32xf32, #tpu.memory_space<hbm>>
      %dma_start3A_782 = arith.constant 0 : i32
      %dma_start3A_783 = arith.constant 0 : i32
      %dma_start3A_784 = tpu.memref_slice %arg6[%dma_start3A_773, %dma_start3A_782, %dma_start3A_783] : memref<10x320x32xf32, #tpu.memory_space<vmem>> -> memref<1x320x32xf32, #tpu.memory_space<vmem>>
      %dma_start3A_785 = tpu.memref_squeeze %dma_start3A_784 : memref<1x320x32xf32, #tpu.memory_space<vmem>> -> memref<320x32xf32, #tpu.memory_space<vmem>>
      tpu.enqueue_dma source(%dma_start3A_785 : memref<320x32xf32, #tpu.memory_space<vmem>>) target(%dma_start3A_781 : memref<320x32xf32, #tpu.memory_space<hbm>>) target_semaphore(%arg25 : memref<!tpu.dma_semaphore, #tpu.memory_space<semaphore_mem>>)
      %mul3A_786 = arith.constant 10 : i32
      %mul3A_787 = arith.muli %scan3A_506, %mul3A_786 : i32
      %add3A_788 = arith.constant 9 : i32
      %add3A_789 = arith.addi %mul3A_787, %add3A_788 : i32
      %mul3A_790 = arith.constant 320 : i32
      %mul3A_791 = arith.muli %add3A_789, %mul3A_790 : i32
      %dma_wait3A_792 = arith.constant 9 : i32
      %dma_wait3A_793 = arith.constant 0 : i32
      %dma_wait3A_794 = arith.constant 0 : i32
      %dma_wait3A_795 = tpu.memref_slice %arg6[%dma_wait3A_792, %dma_wait3A_793, %dma_wait3A_794] : memref<10x320x32xf32, #tpu.memory_space<vmem>> -> memref<1x320x32xf32, #tpu.memory_space<vmem>>
      %dma_wait3A_796 = tpu.memref_squeeze %dma_wait3A_795 : memref<1x320x32xf32, #tpu.memory_space<vmem>> -> memref<320x32xf32, #tpu.memory_space<vmem>>
      %dma_wait3A_797 = tpu.memref_slice %arg5[%mul3A_791] : memref<25600xi32, #tpu.memory_space<vmem>> -> memref<320xi32, #tpu.memory_space<vmem>>
      %dma_wait3A_798 = arith.constant 0 : i32
      %dma_wait3A_799 = arith.constant 0 : i32
      %dma_wait3A_800 = tpu.memref_slice %arg3[%dma_wait3A_798, %dma_wait3A_799] : memref<1000000x32xf32, #tpu.memory_space<hbm>> -> memref<1000000x32xf32, #tpu.memory_space<hbm>>
      tpu.wait_indirect_dma semaphore(%arg16 : memref<!tpu.dma_semaphore, #tpu.memory_space<semaphore_mem>>) src(%dma_wait3A_800 : memref<1000000x32xf32, #tpu.memory_space<hbm>>) dst(%dma_wait3A_796 : memref<320x32xf32, #tpu.memory_space<vmem>>)
      %mul3A_801 = arith.constant 320 : i32
      %mul3A_802 = arith.muli %add3A_789, %mul3A_801 : i32
      %add3A_803 = arith.addi %multiple_of3A, %mul3A_802 : i32
      %dma_start3A_804 = arith.constant 9 : i32
      %dma_start3A_805 = arith.constant 0 : i32
      %dma_start3A_806 = arith.constant 0 : i32
      %dma_start3A_807 = tpu.memref_slice %arg6[%dma_start3A_804, %dma_start3A_805, %dma_start3A_806] : memref<10x320x32xf32, #tpu.memory_space<vmem>> -> memref<1x320x32xf32, #tpu.memory_space<vmem>>
      %dma_start3A_808 = tpu.memref_squeeze %dma_start3A_807 : memref<1x320x32xf32, #tpu.memory_space<vmem>> -> memref<320x32xf32, #tpu.memory_space<vmem>>
      %dma_start3A_809 = arith.constant 0 : i32
      %dma_start3A_810 = tpu.memref_slice %arg4[%add3A_803, %dma_start3A_809] : memref<819200x32xf32, #tpu.memory_space<hbm>> -> memref<320x32xf32, #tpu.memory_space<hbm>>
      %dma_start3A_811 = arith.constant 0 : i32
      %dma_start3A_812 = tpu.memref_slice %arg4[%add3A_803, %dma_start3A_811] : memref<819200x32xf32, #tpu.memory_space<hbm>> -> memref<320x32xf32, #tpu.memory_space<hbm>>
      %dma_start3A_813 = arith.constant 0 : i32
      %dma_start3A_814 = arith.constant 0 : i32
      %dma_start3A_815 = tpu.memref_slice %arg6[%dma_start3A_804, %dma_start3A_813, %dma_start3A_814] : memref<10x320x32xf32, #tpu.memory_space<vmem>> -> memref<1x320x32xf32, #tpu.memory_space<vmem>>
      %dma_start3A_816 = tpu.memref_squeeze %dma_start3A_815 : memref<1x320x32xf32, #tpu.memory_space<vmem>> -> memref<320x32xf32, #tpu.memory_space<vmem>>
      tpu.enqueue_dma source(%dma_start3A_816 : memref<320x32xf32, #tpu.memory_space<vmem>>) target(%dma_start3A_812 : memref<320x32xf32, #tpu.memory_space<hbm>>) target_semaphore(%arg26 : memref<!tpu.dma_semaphore, #tpu.memory_space<semaphore_mem>>)
      %mul3A_817 = arith.constant 10 : i32
      %mul3A_818 = arith.muli %scan3A_506, %mul3A_817 : i32
      %add3A_819 = arith.constant 0 : i32
      %add3A_820 = arith.addi %mul3A_818, %add3A_819 : i32
      %mul3A_821 = arith.constant 320 : i32
      %mul3A_822 = arith.muli %add3A_820, %mul3A_821 : i32
      %add3A_823 = arith.addi %multiple_of3A, %mul3A_822 : i32
      %dma_wait3A_824 = arith.constant 0 : i32
      %dma_wait3A_825 = arith.constant 0 : i32
      %dma_wait3A_826 = arith.constant 0 : i32
      %dma_wait3A_827 = tpu.memref_slice %arg6[%dma_wait3A_824, %dma_wait3A_825, %dma_wait3A_826] : memref<10x320x32xf32, #tpu.memory_space<vmem>> -> memref<1x320x32xf32, #tpu.memory_space<vmem>>
      %dma_wait3A_828 = tpu.memref_squeeze %dma_wait3A_827 : memref<1x320x32xf32, #tpu.memory_space<vmem>> -> memref<320x32xf32, #tpu.memory_space<vmem>>
      %dma_wait3A_829 = arith.constant 0 : i32
      %dma_wait3A_830 = tpu.memref_slice %arg4[%add3A_823, %dma_wait3A_829] : memref<819200x32xf32, #tpu.memory_space<hbm>> -> memref<320x32xf32, #tpu.memory_space<hbm>>
      %dma_wait3A_831 = arith.constant 0 : i32
      %dma_wait3A_832 = tpu.memref_slice %arg4[%add3A_823, %dma_wait3A_831] : memref<819200x32xf32, #tpu.memory_space<hbm>> -> memref<320x32xf32, #tpu.memory_space<hbm>>
      %dma_wait3A_833 = arith.constant 0 : i32
      %dma_wait3A_834 = arith.constant 0 : i32
      %dma_wait3A_835 = tpu.memref_slice %arg6[%dma_wait3A_824, %dma_wait3A_833, %dma_wait3A_834] : memref<10x320x32xf32, #tpu.memory_space<vmem>> -> memref<1x320x32xf32, #tpu.memory_space<vmem>>
      %dma_wait3A_836 = tpu.memref_squeeze %dma_wait3A_835 : memref<1x320x32xf32, #tpu.memory_space<vmem>> -> memref<320x32xf32, #tpu.memory_space<vmem>>
      tpu.wait_dma2 semaphore(%arg17 : memref<!tpu.dma_semaphore, #tpu.memory_space<semaphore_mem>>) src(%dma_wait3A_836 : memref<320x32xf32, #tpu.memory_space<vmem>>) dst(%dma_wait3A_832 : memref<320x32xf32, #tpu.memory_space<hbm>>)
      %add3A_837 = arith.constant 10 : i32
      %add3A_838 = arith.addi %add3A_820, %add3A_837 : i32
      %mul3A_839 = arith.constant 320 : i32
      %mul3A_840 = arith.muli %add3A_838, %mul3A_839 : i32
      %dma_start3A_841 = arith.constant 0 : i32
      %dma_start3A_842 = arith.constant 0 : i32
      %dma_start3A_843 = arith.constant 0 : i32
      %dma_start3A_844 = tpu.memref_slice %arg6[%dma_start3A_841, %dma_start3A_842, %dma_start3A_843] : memref<10x320x32xf32, #tpu.memory_space<vmem>> -> memref<1x320x32xf32, #tpu.memory_space<vmem>>
      %dma_start3A_845 = tpu.memref_squeeze %dma_start3A_844 : memref<1x320x32xf32, #tpu.memory_space<vmem>> -> memref<320x32xf32, #tpu.memory_space<vmem>>
      %dma_start3A_846 = tpu.memref_slice %arg5[%mul3A_840] : memref<25600xi32, #tpu.memory_space<vmem>> -> memref<320xi32, #tpu.memory_space<vmem>>
      %dma_start3A_847 = arith.constant 0 : i32
      %dma_start3A_848 = arith.constant 0 : i32
      %dma_start3A_849 = tpu.memref_slice %arg3[%dma_start3A_847, %dma_start3A_848] : memref<1000000x32xf32, #tpu.memory_space<hbm>> -> memref<1000000x32xf32, #tpu.memory_space<hbm>>
      tpu.enqueue_indirect_dma source(%dma_start3A_849 : memref<1000000x32xf32, #tpu.memory_space<hbm>>) target(%dma_start3A_845 : memref<320x32xf32, #tpu.memory_space<vmem>>) offsets(%dma_start3A_846 : memref<320xi32, #tpu.memory_space<vmem>>) semaphore(%arg7 : memref<!tpu.dma_semaphore, #tpu.memory_space<semaphore_mem>>)
      %mul3A_850 = arith.constant 10 : i32
      %mul3A_851 = arith.muli %scan3A_506, %mul3A_850 : i32
      %add3A_852 = arith.constant 1 : i32
      %add3A_853 = arith.addi %mul3A_851, %add3A_852 : i32
      %mul3A_854 = arith.constant 320 : i32
      %mul3A_855 = arith.muli %add3A_853, %mul3A_854 : i32
      %add3A_856 = arith.addi %multiple_of3A, %mul3A_855 : i32
      %dma_wait3A_857 = arith.constant 1 : i32
      %dma_wait3A_858 = arith.constant 0 : i32
      %dma_wait3A_859 = arith.constant 0 : i32
      %dma_wait3A_860 = tpu.memref_slice %arg6[%dma_wait3A_857, %dma_wait3A_858, %dma_wait3A_859] : memref<10x320x32xf32, #tpu.memory_space<vmem>> -> memref<1x320x32xf32, #tpu.memory_space<vmem>>
      %dma_wait3A_861 = tpu.memref_squeeze %dma_wait3A_860 : memref<1x320x32xf32, #tpu.memory_space<vmem>> -> memref<320x32xf32, #tpu.memory_space<vmem>>
      %dma_wait3A_862 = arith.constant 0 : i32
      %dma_wait3A_863 = tpu.memref_slice %arg4[%add3A_856, %dma_wait3A_862] : memref<819200x32xf32, #tpu.memory_space<hbm>> -> memref<320x32xf32, #tpu.memory_space<hbm>>
      %dma_wait3A_864 = arith.constant 0 : i32
      %dma_wait3A_865 = tpu.memref_slice %arg4[%add3A_856, %dma_wait3A_864] : memref<819200x32xf32, #tpu.memory_space<hbm>> -> memref<320x32xf32, #tpu.memory_space<hbm>>
      %dma_wait3A_866 = arith.constant 0 : i32
      %dma_wait3A_867 = arith.constant 0 : i32
      %dma_wait3A_868 = tpu.memref_slice %arg6[%dma_wait3A_857, %dma_wait3A_866, %dma_wait3A_867] : memref<10x320x32xf32, #tpu.memory_space<vmem>> -> memref<1x320x32xf32, #tpu.memory_space<vmem>>
      %dma_wait3A_869 = tpu.memref_squeeze %dma_wait3A_868 : memref<1x320x32xf32, #tpu.memory_space<vmem>> -> memref<320x32xf32, #tpu.memory_space<vmem>>
      tpu.wait_dma2 semaphore(%arg18 : memref<!tpu.dma_semaphore, #tpu.memory_space<semaphore_mem>>) src(%dma_wait3A_869 : memref<320x32xf32, #tpu.memory_space<vmem>>) dst(%dma_wait3A_865 : memref<320x32xf32, #tpu.memory_space<hbm>>)
      %add3A_870 = arith.constant 10 : i32
      %add3A_871 = arith.addi %add3A_853, %add3A_870 : i32
      %mul3A_872 = arith.constant 320 : i32
      %mul3A_873 = arith.muli %add3A_871, %mul3A_872 : i32
      %dma_start3A_874 = arith.constant 1 : i32
      %dma_start3A_875 = arith.constant 0 : i32
      %dma_start3A_876 = arith.constant 0 : i32
      %dma_start3A_877 = tpu.memref_slice %arg6[%dma_start3A_874, %dma_start3A_875, %dma_start3A_876] : memref<10x320x32xf32, #tpu.memory_space<vmem>> -> memref<1x320x32xf32, #tpu.memory_space<vmem>>
      %dma_start3A_878 = tpu.memref_squeeze %dma_start3A_877 : memref<1x320x32xf32, #tpu.memory_space<vmem>> -> memref<320x32xf32, #tpu.memory_space<vmem>>
      %dma_start3A_879 = tpu.memref_slice %arg5[%mul3A_873] : memref<25600xi32, #tpu.memory_space<vmem>> -> memref<320xi32, #tpu.memory_space<vmem>>
      %dma_start3A_880 = arith.constant 0 : i32
      %dma_start3A_881 = arith.constant 0 : i32
      %dma_start3A_882 = tpu.memref_slice %arg3[%dma_start3A_880, %dma_start3A_881] : memref<1000000x32xf32, #tpu.memory_space<hbm>> -> memref<1000000x32xf32, #tpu.memory_space<hbm>>
      tpu.enqueue_indirect_dma source(%dma_start3A_882 : memref<1000000x32xf32, #tpu.memory_space<hbm>>) target(%dma_start3A_878 : memref<320x32xf32, #tpu.memory_space<vmem>>) offsets(%dma_start3A_879 : memref<320xi32, #tpu.memory_space<vmem>>) semaphore(%arg8 : memref<!tpu.dma_semaphore, #tpu.memory_space<semaphore_mem>>)
      %mul3A_883 = arith.constant 10 : i32
      %mul3A_884 = arith.muli %scan3A_506, %mul3A_883 : i32
      %add3A_885 = arith.constant 2 : i32
      %add3A_886 = arith.addi %mul3A_884, %add3A_885 : i32
      %mul3A_887 = arith.constant 320 : i32
      %mul3A_888 = arith.muli %add3A_886, %mul3A_887 : i32
      %add3A_889 = arith.addi %multiple_of3A, %mul3A_888 : i32
      %dma_wait3A_890 = arith.constant 2 : i32
      %dma_wait3A_891 = arith.constant 0 : i32
      %dma_wait3A_892 = arith.constant 0 : i32
      %dma_wait3A_893 = tpu.memref_slice %arg6[%dma_wait3A_890, %dma_wait3A_891, %dma_wait3A_892] : memref<10x320x32xf32, #tpu.memory_space<vmem>> -> memref<1x320x32xf32, #tpu.memory_space<vmem>>
      %dma_wait3A_894 = tpu.memref_squeeze %dma_wait3A_893 : memref<1x320x32xf32, #tpu.memory_space<vmem>> -> memref<320x32xf32, #tpu.memory_space<vmem>>
      %dma_wait3A_895 = arith.constant 0 : i32
      %dma_wait3A_896 = tpu.memref_slice %arg4[%add3A_889, %dma_wait3A_895] : memref<819200x32xf32, #tpu.memory_space<hbm>> -> memref<320x32xf32, #tpu.memory_space<hbm>>
      %dma_wait3A_897 = arith.constant 0 : i32
      %dma_wait3A_898 = tpu.memref_slice %arg4[%add3A_889, %dma_wait3A_897] : memref<819200x32xf32, #tpu.memory_space<hbm>> -> memref<320x32xf32, #tpu.memory_space<hbm>>
      %dma_wait3A_899 = arith.constant 0 : i32
      %dma_wait3A_900 = arith.constant 0 : i32
      %dma_wait3A_901 = tpu.memref_slice %arg6[%dma_wait3A_890, %dma_wait3A_899, %dma_wait3A_900] : memref<10x320x32xf32, #tpu.memory_space<vmem>> -> memref<1x320x32xf32, #tpu.memory_space<vmem>>
      %dma_wait3A_902 = tpu.memref_squeeze %dma_wait3A_901 : memref<1x320x32xf32, #tpu.memory_space<vmem>> -> memref<320x32xf32, #tpu.memory_space<vmem>>
      tpu.wait_dma2 semaphore(%arg19 : memref<!tpu.dma_semaphore, #tpu.memory_space<semaphore_mem>>) src(%dma_wait3A_902 : memref<320x32xf32, #tpu.memory_space<vmem>>) dst(%dma_wait3A_898 : memref<320x32xf32, #tpu.memory_space<hbm>>)
      %add3A_903 = arith.constant 10 : i32
      %add3A_904 = arith.addi %add3A_886, %add3A_903 : i32
      %mul3A_905 = arith.constant 320 : i32
      %mul3A_906 = arith.muli %add3A_904, %mul3A_905 : i32
      %dma_start3A_907 = arith.constant 2 : i32
      %dma_start3A_908 = arith.constant 0 : i32
      %dma_start3A_909 = arith.constant 0 : i32
      %dma_start3A_910 = tpu.memref_slice %arg6[%dma_start3A_907, %dma_start3A_908, %dma_start3A_909] : memref<10x320x32xf32, #tpu.memory_space<vmem>> -> memref<1x320x32xf32, #tpu.memory_space<vmem>>
      %dma_start3A_911 = tpu.memref_squeeze %dma_start3A_910 : memref<1x320x32xf32, #tpu.memory_space<vmem>> -> memref<320x32xf32, #tpu.memory_space<vmem>>
      %dma_start3A_912 = tpu.memref_slice %arg5[%mul3A_906] : memref<25600xi32, #tpu.memory_space<vmem>> -> memref<320xi32, #tpu.memory_space<vmem>>
      %dma_start3A_913 = arith.constant 0 : i32
      %dma_start3A_914 = arith.constant 0 : i32
      %dma_start3A_915 = tpu.memref_slice %arg3[%dma_start3A_913, %dma_start3A_914] : memref<1000000x32xf32, #tpu.memory_space<hbm>> -> memref<1000000x32xf32, #tpu.memory_space<hbm>>
      tpu.enqueue_indirect_dma source(%dma_start3A_915 : memref<1000000x32xf32, #tpu.memory_space<hbm>>) target(%dma_start3A_911 : memref<320x32xf32, #tpu.memory_space<vmem>>) offsets(%dma_start3A_912 : memref<320xi32, #tpu.memory_space<vmem>>) semaphore(%arg9 : memref<!tpu.dma_semaphore, #tpu.memory_space<semaphore_mem>>)
      %mul3A_916 = arith.constant 10 : i32
      %mul3A_917 = arith.muli %scan3A_506, %mul3A_916 : i32
      %add3A_918 = arith.constant 3 : i32
      %add3A_919 = arith.addi %mul3A_917, %add3A_918 : i32
      %mul3A_920 = arith.constant 320 : i32
      %mul3A_921 = arith.muli %add3A_919, %mul3A_920 : i32
      %add3A_922 = arith.addi %multiple_of3A, %mul3A_921 : i32
      %dma_wait3A_923 = arith.constant 3 : i32
      %dma_wait3A_924 = arith.constant 0 : i32
      %dma_wait3A_925 = arith.constant 0 : i32
      %dma_wait3A_926 = tpu.memref_slice %arg6[%dma_wait3A_923, %dma_wait3A_924, %dma_wait3A_925] : memref<10x320x32xf32, #tpu.memory_space<vmem>> -> memref<1x320x32xf32, #tpu.memory_space<vmem>>
      %dma_wait3A_927 = tpu.memref_squeeze %dma_wait3A_926 : memref<1x320x32xf32, #tpu.memory_space<vmem>> -> memref<320x32xf32, #tpu.memory_space<vmem>>
      %dma_wait3A_928 = arith.constant 0 : i32
      %dma_wait3A_929 = tpu.memref_slice %arg4[%add3A_922, %dma_wait3A_928] : memref<819200x32xf32, #tpu.memory_space<hbm>> -> memref<320x32xf32, #tpu.memory_space<hbm>>
      %dma_wait3A_930 = arith.constant 0 : i32
      %dma_wait3A_931 = tpu.memref_slice %arg4[%add3A_922, %dma_wait3A_930] : memref<819200x32xf32, #tpu.memory_space<hbm>> -> memref<320x32xf32, #tpu.memory_space<hbm>>
      %dma_wait3A_932 = arith.constant 0 : i32
      %dma_wait3A_933 = arith.constant 0 : i32
      %dma_wait3A_934 = tpu.memref_slice %arg6[%dma_wait3A_923, %dma_wait3A_932, %dma_wait3A_933] : memref<10x320x32xf32, #tpu.memory_space<vmem>> -> memref<1x320x32xf32, #tpu.memory_space<vmem>>
      %dma_wait3A_935 = tpu.memref_squeeze %dma_wait3A_934 : memref<1x320x32xf32, #tpu.memory_space<vmem>> -> memref<320x32xf32, #tpu.memory_space<vmem>>
      tpu.wait_dma2 semaphore(%arg20 : memref<!tpu.dma_semaphore, #tpu.memory_space<semaphore_mem>>) src(%dma_wait3A_935 : memref<320x32xf32, #tpu.memory_space<vmem>>) dst(%dma_wait3A_931 : memref<320x32xf32, #tpu.memory_space<hbm>>)
      %add3A_936 = arith.constant 10 : i32
      %add3A_937 = arith.addi %add3A_919, %add3A_936 : i32
      %mul3A_938 = arith.constant 320 : i32
      %mul3A_939 = arith.muli %add3A_937, %mul3A_938 : i32
      %dma_start3A_940 = arith.constant 3 : i32
      %dma_start3A_941 = arith.constant 0 : i32
      %dma_start3A_942 = arith.constant 0 : i32
      %dma_start3A_943 = tpu.memref_slice %arg6[%dma_start3A_940, %dma_start3A_941, %dma_start3A_942] : memref<10x320x32xf32, #tpu.memory_space<vmem>> -> memref<1x320x32xf32, #tpu.memory_space<vmem>>
      %dma_start3A_944 = tpu.memref_squeeze %dma_start3A_943 : memref<1x320x32xf32, #tpu.memory_space<vmem>> -> memref<320x32xf32, #tpu.memory_space<vmem>>
      %dma_start3A_945 = tpu.memref_slice %arg5[%mul3A_939] : memref<25600xi32, #tpu.memory_space<vmem>> -> memref<320xi32, #tpu.memory_space<vmem>>
      %dma_start3A_946 = arith.constant 0 : i32
      %dma_start3A_947 = arith.constant 0 : i32
      %dma_start3A_948 = tpu.memref_slice %arg3[%dma_start3A_946, %dma_start3A_947] : memref<1000000x32xf32, #tpu.memory_space<hbm>> -> memref<1000000x32xf32, #tpu.memory_space<hbm>>
      tpu.enqueue_indirect_dma source(%dma_start3A_948 : memref<1000000x32xf32, #tpu.memory_space<hbm>>) target(%dma_start3A_944 : memref<320x32xf32, #tpu.memory_space<vmem>>) offsets(%dma_start3A_945 : memref<320xi32, #tpu.memory_space<vmem>>) semaphore(%arg10 : memref<!tpu.dma_semaphore, #tpu.memory_space<semaphore_mem>>)
      %mul3A_949 = arith.constant 10 : i32
      %mul3A_950 = arith.muli %scan3A_506, %mul3A_949 : i32
      %add3A_951 = arith.constant 4 : i32
      %add3A_952 = arith.addi %mul3A_950, %add3A_951 : i32
      %mul3A_953 = arith.constant 320 : i32
      %mul3A_954 = arith.muli %add3A_952, %mul3A_953 : i32
      %add3A_955 = arith.addi %multiple_of3A, %mul3A_954 : i32
      %dma_wait3A_956 = arith.constant 4 : i32
      %dma_wait3A_957 = arith.constant 0 : i32
      %dma_wait3A_958 = arith.constant 0 : i32
      %dma_wait3A_959 = tpu.memref_slice %arg6[%dma_wait3A_956, %dma_wait3A_957, %dma_wait3A_958] : memref<10x320x32xf32, #tpu.memory_space<vmem>> -> memref<1x320x32xf32, #tpu.memory_space<vmem>>
      %dma_wait3A_960 = tpu.memref_squeeze %dma_wait3A_959 : memref<1x320x32xf32, #tpu.memory_space<vmem>> -> memref<320x32xf32, #tpu.memory_space<vmem>>
      %dma_wait3A_961 = arith.constant 0 : i32
      %dma_wait3A_962 = tpu.memref_slice %arg4[%add3A_955, %dma_wait3A_961] : memref<819200x32xf32, #tpu.memory_space<hbm>> -> memref<320x32xf32, #tpu.memory_space<hbm>>
      %dma_wait3A_963 = arith.constant 0 : i32
      %dma_wait3A_964 = tpu.memref_slice %arg4[%add3A_955, %dma_wait3A_963] : memref<819200x32xf32, #tpu.memory_space<hbm>> -> memref<320x32xf32, #tpu.memory_space<hbm>>
      %dma_wait3A_965 = arith.constant 0 : i32
      %dma_wait3A_966 = arith.constant 0 : i32
      %dma_wait3A_967 = tpu.memref_slice %arg6[%dma_wait3A_956, %dma_wait3A_965, %dma_wait3A_966] : memref<10x320x32xf32, #tpu.memory_space<vmem>> -> memref<1x320x32xf32, #tpu.memory_space<vmem>>
      %dma_wait3A_968 = tpu.memref_squeeze %dma_wait3A_967 : memref<1x320x32xf32, #tpu.memory_space<vmem>> -> memref<320x32xf32, #tpu.memory_space<vmem>>
      tpu.wait_dma2 semaphore(%arg21 : memref<!tpu.dma_semaphore, #tpu.memory_space<semaphore_mem>>) src(%dma_wait3A_968 : memref<320x32xf32, #tpu.memory_space<vmem>>) dst(%dma_wait3A_964 : memref<320x32xf32, #tpu.memory_space<hbm>>)
      %add3A_969 = arith.constant 10 : i32
      %add3A_970 = arith.addi %add3A_952, %add3A_969 : i32
      %mul3A_971 = arith.constant 320 : i32
      %mul3A_972 = arith.muli %add3A_970, %mul3A_971 : i32
      %dma_start3A_973 = arith.constant 4 : i32
      %dma_start3A_974 = arith.constant 0 : i32
      %dma_start3A_975 = arith.constant 0 : i32
      %dma_start3A_976 = tpu.memref_slice %arg6[%dma_start3A_973, %dma_start3A_974, %dma_start3A_975] : memref<10x320x32xf32, #tpu.memory_space<vmem>> -> memref<1x320x32xf32, #tpu.memory_space<vmem>>
      %dma_start3A_977 = tpu.memref_squeeze %dma_start3A_976 : memref<1x320x32xf32, #tpu.memory_space<vmem>> -> memref<320x32xf32, #tpu.memory_space<vmem>>
      %dma_start3A_978 = tpu.memref_slice %arg5[%mul3A_972] : memref<25600xi32, #tpu.memory_space<vmem>> -> memref<320xi32, #tpu.memory_space<vmem>>
      %dma_start3A_979 = arith.constant 0 : i32
      %dma_start3A_980 = arith.constant 0 : i32
      %dma_start3A_981 = tpu.memref_slice %arg3[%dma_start3A_979, %dma_start3A_980] : memref<1000000x32xf32, #tpu.memory_space<hbm>> -> memref<1000000x32xf32, #tpu.memory_space<hbm>>
      tpu.enqueue_indirect_dma source(%dma_start3A_981 : memref<1000000x32xf32, #tpu.memory_space<hbm>>) target(%dma_start3A_977 : memref<320x32xf32, #tpu.memory_space<vmem>>) offsets(%dma_start3A_978 : memref<320xi32, #tpu.memory_space<vmem>>) semaphore(%arg11 : memref<!tpu.dma_semaphore, #tpu.memory_space<semaphore_mem>>)
      %mul3A_982 = arith.constant 10 : i32
      %mul3A_983 = arith.muli %scan3A_506, %mul3A_982 : i32
      %add3A_984 = arith.constant 5 : i32
      %add3A_985 = arith.addi %mul3A_983, %add3A_984 : i32
      %mul3A_986 = arith.constant 320 : i32
      %mul3A_987 = arith.muli %add3A_985, %mul3A_986 : i32
      %add3A_988 = arith.addi %multiple_of3A, %mul3A_987 : i32
      %dma_wait3A_989 = arith.constant 5 : i32
      %dma_wait3A_990 = arith.constant 0 : i32
      %dma_wait3A_991 = arith.constant 0 : i32
      %dma_wait3A_992 = tpu.memref_slice %arg6[%dma_wait3A_989, %dma_wait3A_990, %dma_wait3A_991] : memref<10x320x32xf32, #tpu.memory_space<vmem>> -> memref<1x320x32xf32, #tpu.memory_space<vmem>>
      %dma_wait3A_993 = tpu.memref_squeeze %dma_wait3A_992 : memref<1x320x32xf32, #tpu.memory_space<vmem>> -> memref<320x32xf32, #tpu.memory_space<vmem>>
      %dma_wait3A_994 = arith.constant 0 : i32
      %dma_wait3A_995 = tpu.memref_slice %arg4[%add3A_988, %dma_wait3A_994] : memref<819200x32xf32, #tpu.memory_space<hbm>> -> memref<320x32xf32, #tpu.memory_space<hbm>>
      %dma_wait3A_996 = arith.constant 0 : i32
      %dma_wait3A_997 = tpu.memref_slice %arg4[%add3A_988, %dma_wait3A_996] : memref<819200x32xf32, #tpu.memory_space<hbm>> -> memref<320x32xf32, #tpu.memory_space<hbm>>
      %dma_wait3A_998 = arith.constant 0 : i32
      %dma_wait3A_999 = arith.constant 0 : i32
      %dma_wait3A_1000 = tpu.memref_slice %arg6[%dma_wait3A_989, %dma_wait3A_998, %dma_wait3A_999] : memref<10x320x32xf32, #tpu.memory_space<vmem>> -> memref<1x320x32xf32, #tpu.memory_space<vmem>>
      %dma_wait3A_1001 = tpu.memref_squeeze %dma_wait3A_1000 : memref<1x320x32xf32, #tpu.memory_space<vmem>> -> memref<320x32xf32, #tpu.memory_space<vmem>>
      tpu.wait_dma2 semaphore(%arg22 : memref<!tpu.dma_semaphore, #tpu.memory_space<semaphore_mem>>) src(%dma_wait3A_1001 : memref<320x32xf32, #tpu.memory_space<vmem>>) dst(%dma_wait3A_997 : memref<320x32xf32, #tpu.memory_space<hbm>>)
      %add3A_1002 = arith.constant 10 : i32
      %add3A_1003 = arith.addi %add3A_985, %add3A_1002 : i32
      %mul3A_1004 = arith.constant 320 : i32
      %mul3A_1005 = arith.muli %add3A_1003, %mul3A_1004 : i32
      %dma_start3A_1006 = arith.constant 5 : i32
      %dma_start3A_1007 = arith.constant 0 : i32
      %dma_start3A_1008 = arith.constant 0 : i32
      %dma_start3A_1009 = tpu.memref_slice %arg6[%dma_start3A_1006, %dma_start3A_1007, %dma_start3A_1008] : memref<10x320x32xf32, #tpu.memory_space<vmem>> -> memref<1x320x32xf32, #tpu.memory_space<vmem>>
      %dma_start3A_1010 = tpu.memref_squeeze %dma_start3A_1009 : memref<1x320x32xf32, #tpu.memory_space<vmem>> -> memref<320x32xf32, #tpu.memory_space<vmem>>
      %dma_start3A_1011 = tpu.memref_slice %arg5[%mul3A_1005] : memref<25600xi32, #tpu.memory_space<vmem>> -> memref<320xi32, #tpu.memory_space<vmem>>
      %dma_start3A_1012 = arith.constant 0 : i32
      %dma_start3A_1013 = arith.constant 0 : i32
      %dma_start3A_1014 = tpu.memref_slice %arg3[%dma_start3A_1012, %dma_start3A_1013] : memref<1000000x32xf32, #tpu.memory_space<hbm>> -> memref<1000000x32xf32, #tpu.memory_space<hbm>>
      tpu.enqueue_indirect_dma source(%dma_start3A_1014 : memref<1000000x32xf32, #tpu.memory_space<hbm>>) target(%dma_start3A_1010 : memref<320x32xf32, #tpu.memory_space<vmem>>) offsets(%dma_start3A_1011 : memref<320xi32, #tpu.memory_space<vmem>>) semaphore(%arg12 : memref<!tpu.dma_semaphore, #tpu.memory_space<semaphore_mem>>)
      %mul3A_1015 = arith.constant 10 : i32
      %mul3A_1016 = arith.muli %scan3A_506, %mul3A_1015 : i32
      %add3A_1017 = arith.constant 6 : i32
      %add3A_1018 = arith.addi %mul3A_1016, %add3A_1017 : i32
      %mul3A_1019 = arith.constant 320 : i32
      %mul3A_1020 = arith.muli %add3A_1018, %mul3A_1019 : i32
      %add3A_1021 = arith.addi %multiple_of3A, %mul3A_1020 : i32
      %dma_wait3A_1022 = arith.constant 6 : i32
      %dma_wait3A_1023 = arith.constant 0 : i32
      %dma_wait3A_1024 = arith.constant 0 : i32
      %dma_wait3A_1025 = tpu.memref_slice %arg6[%dma_wait3A_1022, %dma_wait3A_1023, %dma_wait3A_1024] : memref<10x320x32xf32, #tpu.memory_space<vmem>> -> memref<1x320x32xf32, #tpu.memory_space<vmem>>
      %dma_wait3A_1026 = tpu.memref_squeeze %dma_wait3A_1025 : memref<1x320x32xf32, #tpu.memory_space<vmem>> -> memref<320x32xf32, #tpu.memory_space<vmem>>
      %dma_wait3A_1027 = arith.constant 0 : i32
      %dma_wait3A_1028 = tpu.memref_slice %arg4[%add3A_1021, %dma_wait3A_1027] : memref<819200x32xf32, #tpu.memory_space<hbm>> -> memref<320x32xf32, #tpu.memory_space<hbm>>
      %dma_wait3A_1029 = arith.constant 0 : i32
      %dma_wait3A_1030 = tpu.memref_slice %arg4[%add3A_1021, %dma_wait3A_1029] : memref<819200x32xf32, #tpu.memory_space<hbm>> -> memref<320x32xf32, #tpu.memory_space<hbm>>
      %dma_wait3A_1031 = arith.constant 0 : i32
      %dma_wait3A_1032 = arith.constant 0 : i32
      %dma_wait3A_1033 = tpu.memref_slice %arg6[%dma_wait3A_1022, %dma_wait3A_1031, %dma_wait3A_1032] : memref<10x320x32xf32, #tpu.memory_space<vmem>> -> memref<1x320x32xf32, #tpu.memory_space<vmem>>
      %dma_wait3A_1034 = tpu.memref_squeeze %dma_wait3A_1033 : memref<1x320x32xf32, #tpu.memory_space<vmem>> -> memref<320x32xf32, #tpu.memory_space<vmem>>
      tpu.wait_dma2 semaphore(%arg23 : memref<!tpu.dma_semaphore, #tpu.memory_space<semaphore_mem>>) src(%dma_wait3A_1034 : memref<320x32xf32, #tpu.memory_space<vmem>>) dst(%dma_wait3A_1030 : memref<320x32xf32, #tpu.memory_space<hbm>>)
      %add3A_1035 = arith.constant 10 : i32
      %add3A_1036 = arith.addi %add3A_1018, %add3A_1035 : i32
      %mul3A_1037 = arith.constant 320 : i32
      %mul3A_1038 = arith.muli %add3A_1036, %mul3A_1037 : i32
      %dma_start3A_1039 = arith.constant 6 : i32
      %dma_start3A_1040 = arith.constant 0 : i32
      %dma_start3A_1041 = arith.constant 0 : i32
      %dma_start3A_1042 = tpu.memref_slice %arg6[%dma_start3A_1039, %dma_start3A_1040, %dma_start3A_1041] : memref<10x320x32xf32, #tpu.memory_space<vmem>> -> memref<1x320x32xf32, #tpu.memory_space<vmem>>
      %dma_start3A_1043 = tpu.memref_squeeze %dma_start3A_1042 : memref<1x320x32xf32, #tpu.memory_space<vmem>> -> memref<320x32xf32, #tpu.memory_space<vmem>>
      %dma_start3A_1044 = tpu.memref_slice %arg5[%mul3A_1038] : memref<25600xi32, #tpu.memory_space<vmem>> -> memref<320xi32, #tpu.memory_space<vmem>>
      %dma_start3A_1045 = arith.constant 0 : i32
      %dma_start3A_1046 = arith.constant 0 : i32
      %dma_start3A_1047 = tpu.memref_slice %arg3[%dma_start3A_1045, %dma_start3A_1046] : memref<1000000x32xf32, #tpu.memory_space<hbm>> -> memref<1000000x32xf32, #tpu.memory_space<hbm>>
      tpu.enqueue_indirect_dma source(%dma_start3A_1047 : memref<1000000x32xf32, #tpu.memory_space<hbm>>) target(%dma_start3A_1043 : memref<320x32xf32, #tpu.memory_space<vmem>>) offsets(%dma_start3A_1044 : memref<320xi32, #tpu.memory_space<vmem>>) semaphore(%arg13 : memref<!tpu.dma_semaphore, #tpu.memory_space<semaphore_mem>>)
      %mul3A_1048 = arith.constant 10 : i32
      %mul3A_1049 = arith.muli %scan3A_506, %mul3A_1048 : i32
      %add3A_1050 = arith.constant 7 : i32
      %add3A_1051 = arith.addi %mul3A_1049, %add3A_1050 : i32
      %mul3A_1052 = arith.constant 320 : i32
      %mul3A_1053 = arith.muli %add3A_1051, %mul3A_1052 : i32
      %add3A_1054 = arith.addi %multiple_of3A, %mul3A_1053 : i32
      %dma_wait3A_1055 = arith.constant 7 : i32
      %dma_wait3A_1056 = arith.constant 0 : i32
      %dma_wait3A_1057 = arith.constant 0 : i32
      %dma_wait3A_1058 = tpu.memref_slice %arg6[%dma_wait3A_1055, %dma_wait3A_1056, %dma_wait3A_1057] : memref<10x320x32xf32, #tpu.memory_space<vmem>> -> memref<1x320x32xf32, #tpu.memory_space<vmem>>
      %dma_wait3A_1059 = tpu.memref_squeeze %dma_wait3A_1058 : memref<1x320x32xf32, #tpu.memory_space<vmem>> -> memref<320x32xf32, #tpu.memory_space<vmem>>
      %dma_wait3A_1060 = arith.constant 0 : i32
      %dma_wait3A_1061 = tpu.memref_slice %arg4[%add3A_1054, %dma_wait3A_1060] : memref<819200x32xf32, #tpu.memory_space<hbm>> -> memref<320x32xf32, #tpu.memory_space<hbm>>
      %dma_wait3A_1062 = arith.constant 0 : i32
      %dma_wait3A_1063 = tpu.memref_slice %arg4[%add3A_1054, %dma_wait3A_1062] : memref<819200x32xf32, #tpu.memory_space<hbm>> -> memref<320x32xf32, #tpu.memory_space<hbm>>
      %dma_wait3A_1064 = arith.constant 0 : i32
      %dma_wait3A_1065 = arith.constant 0 : i32
      %dma_wait3A_1066 = tpu.memref_slice %arg6[%dma_wait3A_1055, %dma_wait3A_1064, %dma_wait3A_1065] : memref<10x320x32xf32, #tpu.memory_space<vmem>> -> memref<1x320x32xf32, #tpu.memory_space<vmem>>
      %dma_wait3A_1067 = tpu.memref_squeeze %dma_wait3A_1066 : memref<1x320x32xf32, #tpu.memory_space<vmem>> -> memref<320x32xf32, #tpu.memory_space<vmem>>
      tpu.wait_dma2 semaphore(%arg24 : memref<!tpu.dma_semaphore, #tpu.memory_space<semaphore_mem>>) src(%dma_wait3A_1067 : memref<320x32xf32, #tpu.memory_space<vmem>>) dst(%dma_wait3A_1063 : memref<320x32xf32, #tpu.memory_space<hbm>>)
      %add3A_1068 = arith.constant 10 : i32
      %add3A_1069 = arith.addi %add3A_1051, %add3A_1068 : i32
      %mul3A_1070 = arith.constant 320 : i32
      %mul3A_1071 = arith.muli %add3A_1069, %mul3A_1070 : i32
      %dma_start3A_1072 = arith.constant 7 : i32
      %dma_start3A_1073 = arith.constant 0 : i32
      %dma_start3A_1074 = arith.constant 0 : i32
      %dma_start3A_1075 = tpu.memref_slice %arg6[%dma_start3A_1072, %dma_start3A_1073, %dma_start3A_1074] : memref<10x320x32xf32, #tpu.memory_space<vmem>> -> memref<1x320x32xf32, #tpu.memory_space<vmem>>
      %dma_start3A_1076 = tpu.memref_squeeze %dma_start3A_1075 : memref<1x320x32xf32, #tpu.memory_space<vmem>> -> memref<320x32xf32, #tpu.memory_space<vmem>>
      %dma_start3A_1077 = tpu.memref_slice %arg5[%mul3A_1071] : memref<25600xi32, #tpu.memory_space<vmem>> -> memref<320xi32, #tpu.memory_space<vmem>>
      %dma_start3A_1078 = arith.constant 0 : i32
      %dma_start3A_1079 = arith.constant 0 : i32
      %dma_start3A_1080 = tpu.memref_slice %arg3[%dma_start3A_1078, %dma_start3A_1079] : memref<1000000x32xf32, #tpu.memory_space<hbm>> -> memref<1000000x32xf32, #tpu.memory_space<hbm>>
      tpu.enqueue_indirect_dma source(%dma_start3A_1080 : memref<1000000x32xf32, #tpu.memory_space<hbm>>) target(%dma_start3A_1076 : memref<320x32xf32, #tpu.memory_space<vmem>>) offsets(%dma_start3A_1077 : memref<320xi32, #tpu.memory_space<vmem>>) semaphore(%arg14 : memref<!tpu.dma_semaphore, #tpu.memory_space<semaphore_mem>>)
      %mul3A_1081 = arith.constant 10 : i32
      %mul3A_1082 = arith.muli %scan3A_506, %mul3A_1081 : i32
      %add3A_1083 = arith.constant 8 : i32
      %add3A_1084 = arith.addi %mul3A_1082, %add3A_1083 : i32
      %mul3A_1085 = arith.constant 320 : i32
      %mul3A_1086 = arith.muli %add3A_1084, %mul3A_1085 : i32
      %add3A_1087 = arith.addi %multiple_of3A, %mul3A_1086 : i32
      %dma_wait3A_1088 = arith.constant 8 : i32
      %dma_wait3A_1089 = arith.constant 0 : i32
      %dma_wait3A_1090 = arith.constant 0 : i32
      %dma_wait3A_1091 = tpu.memref_slice %arg6[%dma_wait3A_1088, %dma_wait3A_1089, %dma_wait3A_1090] : memref<10x320x32xf32, #tpu.memory_space<vmem>> -> memref<1x320x32xf32, #tpu.memory_space<vmem>>
      %dma_wait3A_1092 = tpu.memref_squeeze %dma_wait3A_1091 : memref<1x320x32xf32, #tpu.memory_space<vmem>> -> memref<320x32xf32, #tpu.memory_space<vmem>>
      %dma_wait3A_1093 = arith.constant 0 : i32
      %dma_wait3A_1094 = tpu.memref_slice %arg4[%add3A_1087, %dma_wait3A_1093] : memref<819200x32xf32, #tpu.memory_space<hbm>> -> memref<320x32xf32, #tpu.memory_space<hbm>>
      %dma_wait3A_1095 = arith.constant 0 : i32
      %dma_wait3A_1096 = tpu.memref_slice %arg4[%add3A_1087, %dma_wait3A_1095] : memref<819200x32xf32, #tpu.memory_space<hbm>> -> memref<320x32xf32, #tpu.memory_space<hbm>>
      %dma_wait3A_1097 = arith.constant 0 : i32
      %dma_wait3A_1098 = arith.constant 0 : i32
      %dma_wait3A_1099 = tpu.memref_slice %arg6[%dma_wait3A_1088, %dma_wait3A_1097, %dma_wait3A_1098] : memref<10x320x32xf32, #tpu.memory_space<vmem>> -> memref<1x320x32xf32, #tpu.memory_space<vmem>>
      %dma_wait3A_1100 = tpu.memref_squeeze %dma_wait3A_1099 : memref<1x320x32xf32, #tpu.memory_space<vmem>> -> memref<320x32xf32, #tpu.memory_space<vmem>>
      tpu.wait_dma2 semaphore(%arg25 : memref<!tpu.dma_semaphore, #tpu.memory_space<semaphore_mem>>) src(%dma_wait3A_1100 : memref<320x32xf32, #tpu.memory_space<vmem>>) dst(%dma_wait3A_1096 : memref<320x32xf32, #tpu.memory_space<hbm>>)
      %add3A_1101 = arith.constant 10 : i32
      %add3A_1102 = arith.addi %add3A_1084, %add3A_1101 : i32
      %mul3A_1103 = arith.constant 320 : i32
      %mul3A_1104 = arith.muli %add3A_1102, %mul3A_1103 : i32
      %dma_start3A_1105 = arith.constant 8 : i32
      %dma_start3A_1106 = arith.constant 0 : i32
      %dma_start3A_1107 = arith.constant 0 : i32
      %dma_start3A_1108 = tpu.memref_slice %arg6[%dma_start3A_1105, %dma_start3A_1106, %dma_start3A_1107] : memref<10x320x32xf32, #tpu.memory_space<vmem>> -> memref<1x320x32xf32, #tpu.memory_space<vmem>>
      %dma_start3A_1109 = tpu.memref_squeeze %dma_start3A_1108 : memref<1x320x32xf32, #tpu.memory_space<vmem>> -> memref<320x32xf32, #tpu.memory_space<vmem>>
      %dma_start3A_1110 = tpu.memref_slice %arg5[%mul3A_1104] : memref<25600xi32, #tpu.memory_space<vmem>> -> memref<320xi32, #tpu.memory_space<vmem>>
      %dma_start3A_1111 = arith.constant 0 : i32
      %dma_start3A_1112 = arith.constant 0 : i32
      %dma_start3A_1113 = tpu.memref_slice %arg3[%dma_start3A_1111, %dma_start3A_1112] : memref<1000000x32xf32, #tpu.memory_space<hbm>> -> memref<1000000x32xf32, #tpu.memory_space<hbm>>
      tpu.enqueue_indirect_dma source(%dma_start3A_1113 : memref<1000000x32xf32, #tpu.memory_space<hbm>>) target(%dma_start3A_1109 : memref<320x32xf32, #tpu.memory_space<vmem>>) offsets(%dma_start3A_1110 : memref<320xi32, #tpu.memory_space<vmem>>) semaphore(%arg15 : memref<!tpu.dma_semaphore, #tpu.memory_space<semaphore_mem>>)
      %mul3A_1114 = arith.constant 10 : i32
      %mul3A_1115 = arith.muli %scan3A_506, %mul3A_1114 : i32
      %add3A_1116 = arith.constant 9 : i32
      %add3A_1117 = arith.addi %mul3A_1115, %add3A_1116 : i32
      %mul3A_1118 = arith.constant 320 : i32
      %mul3A_1119 = arith.muli %add3A_1117, %mul3A_1118 : i32
      %add3A_1120 = arith.addi %multiple_of3A, %mul3A_1119 : i32
      %dma_wait3A_1121 = arith.constant 9 : i32
      %dma_wait3A_1122 = arith.constant 0 : i32
      %dma_wait3A_1123 = arith.constant 0 : i32
      %dma_wait3A_1124 = tpu.memref_slice %arg6[%dma_wait3A_1121, %dma_wait3A_1122, %dma_wait3A_1123] : memref<10x320x32xf32, #tpu.memory_space<vmem>> -> memref<1x320x32xf32, #tpu.memory_space<vmem>>
      %dma_wait3A_1125 = tpu.memref_squeeze %dma_wait3A_1124 : memref<1x320x32xf32, #tpu.memory_space<vmem>> -> memref<320x32xf32, #tpu.memory_space<vmem>>
      %dma_wait3A_1126 = arith.constant 0 : i32
      %dma_wait3A_1127 = tpu.memref_slice %arg4[%add3A_1120, %dma_wait3A_1126] : memref<819200x32xf32, #tpu.memory_space<hbm>> -> memref<320x32xf32, #tpu.memory_space<hbm>>
      %dma_wait3A_1128 = arith.constant 0 : i32
      %dma_wait3A_1129 = tpu.memref_slice %arg4[%add3A_1120, %dma_wait3A_1128] : memref<819200x32xf32, #tpu.memory_space<hbm>> -> memref<320x32xf32, #tpu.memory_space<hbm>>
      %dma_wait3A_1130 = arith.constant 0 : i32
      %dma_wait3A_1131 = arith.constant 0 : i32
      %dma_wait3A_1132 = tpu.memref_slice %arg6[%dma_wait3A_1121, %dma_wait3A_1130, %dma_wait3A_1131] : memref<10x320x32xf32, #tpu.memory_space<vmem>> -> memref<1x320x32xf32, #tpu.memory_space<vmem>>
      %dma_wait3A_1133 = tpu.memref_squeeze %dma_wait3A_1132 : memref<1x320x32xf32, #tpu.memory_space<vmem>> -> memref<320x32xf32, #tpu.memory_space<vmem>>
      tpu.wait_dma2 semaphore(%arg26 : memref<!tpu.dma_semaphore, #tpu.memory_space<semaphore_mem>>) src(%dma_wait3A_1133 : memref<320x32xf32, #tpu.memory_space<vmem>>) dst(%dma_wait3A_1129 : memref<320x32xf32, #tpu.memory_space<hbm>>)
      %add3A_1134 = arith.constant 10 : i32
      %add3A_1135 = arith.addi %add3A_1117, %add3A_1134 : i32
      %mul3A_1136 = arith.constant 320 : i32
      %mul3A_1137 = arith.muli %add3A_1135, %mul3A_1136 : i32
      %dma_start3A_1138 = arith.constant 9 : i32
      %dma_start3A_1139 = arith.constant 0 : i32
      %dma_start3A_1140 = arith.constant 0 : i32
      %dma_start3A_1141 = tpu.memref_slice %arg6[%dma_start3A_1138, %dma_start3A_1139, %dma_start3A_1140] : memref<10x320x32xf32, #tpu.memory_space<vmem>> -> memref<1x320x32xf32, #tpu.memory_space<vmem>>
      %dma_start3A_1142 = tpu.memref_squeeze %dma_start3A_1141 : memref<1x320x32xf32, #tpu.memory_space<vmem>> -> memref<320x32xf32, #tpu.memory_space<vmem>>
      %dma_start3A_1143 = tpu.memref_slice %arg5[%mul3A_1137] : memref<25600xi32, #tpu.memory_space<vmem>> -> memref<320xi32, #tpu.memory_space<vmem>>
      %dma_start3A_1144 = arith.constant 0 : i32
      %dma_start3A_1145 = arith.constant 0 : i32
      %dma_start3A_1146 = tpu.memref_slice %arg3[%dma_start3A_1144, %dma_start3A_1145] : memref<1000000x32xf32, #tpu.memory_space<hbm>> -> memref<1000000x32xf32, #tpu.memory_space<hbm>>
      tpu.enqueue_indirect_dma source(%dma_start3A_1146 : memref<1000000x32xf32, #tpu.memory_space<hbm>>) target(%dma_start3A_1142 : memref<320x32xf32, #tpu.memory_space<vmem>>) offsets(%dma_start3A_1143 : memref<320xi32, #tpu.memory_space<vmem>>) semaphore(%arg16 : memref<!tpu.dma_semaphore, #tpu.memory_space<semaphore_mem>>)
    }
    %scan3A_106 = arith.constant 7 : i32
    %dma_wait3A = arith.constant 0 : i32
    %dma_wait3A_107 = arith.constant 0 : i32
    %dma_wait3A_108 = arith.constant 0 : i32
    %dma_wait3A_109 = tpu.memref_slice %arg6[%dma_wait3A, %dma_wait3A_107, %dma_wait3A_108] : memref<10x320x32xf32, #tpu.memory_space<vmem>> -> memref<1x320x32xf32, #tpu.memory_space<vmem>>
    %dma_wait3A_110 = tpu.memref_squeeze %dma_wait3A_109 : memref<1x320x32xf32, #tpu.memory_space<vmem>> -> memref<320x32xf32, #tpu.memory_space<vmem>>
    %dma_wait3A_111 = arith.constant 22400 : i32
    %dma_wait3A_112 = tpu.memref_slice %arg5[%dma_wait3A_111] : memref<25600xi32, #tpu.memory_space<vmem>> -> memref<320xi32, #tpu.memory_space<vmem>>
    %dma_wait3A_113 = arith.constant 0 : i32
    %dma_wait3A_114 = arith.constant 0 : i32
    %dma_wait3A_115 = tpu.memref_slice %arg3[%dma_wait3A_113, %dma_wait3A_114] : memref<1000000x32xf32, #tpu.memory_space<hbm>> -> memref<1000000x32xf32, #tpu.memory_space<hbm>>
    tpu.wait_indirect_dma semaphore(%arg7 : memref<!tpu.dma_semaphore, #tpu.memory_space<semaphore_mem>>) src(%dma_wait3A_115 : memref<1000000x32xf32, #tpu.memory_space<hbm>>) dst(%dma_wait3A_110 : memref<320x32xf32, #tpu.memory_space<vmem>>)
    %add3A_116 = arith.constant 22400 : i32
    %add3A_117 = arith.addi %multiple_of3A, %add3A_116 : i32
    %dma_start3A_118 = arith.constant 0 : i32
    %dma_start3A_119 = arith.constant 0 : i32
    %dma_start3A_120 = arith.constant 0 : i32
    %dma_start3A_121 = tpu.memref_slice %arg6[%dma_start3A_118, %dma_start3A_119, %dma_start3A_120] : memref<10x320x32xf32, #tpu.memory_space<vmem>> -> memref<1x320x32xf32, #tpu.memory_space<vmem>>
    %dma_start3A_122 = tpu.memref_squeeze %dma_start3A_121 : memref<1x320x32xf32, #tpu.memory_space<vmem>> -> memref<320x32xf32, #tpu.memory_space<vmem>>
    %dma_start3A_123 = arith.constant 0 : i32
    %dma_start3A_124 = tpu.memref_slice %arg4[%add3A_117, %dma_start3A_123] : memref<819200x32xf32, #tpu.memory_space<hbm>> -> memref<320x32xf32, #tpu.memory_space<hbm>>
    %dma_start3A_125 = arith.constant 0 : i32
    %dma_start3A_126 = tpu.memref_slice %arg4[%add3A_117, %dma_start3A_125] : memref<819200x32xf32, #tpu.memory_space<hbm>> -> memref<320x32xf32, #tpu.memory_space<hbm>>
    %dma_start3A_127 = arith.constant 0 : i32
    %dma_start3A_128 = arith.constant 0 : i32
    %dma_start3A_129 = tpu.memref_slice %arg6[%dma_start3A_118, %dma_start3A_127, %dma_start3A_128] : memref<10x320x32xf32, #tpu.memory_space<vmem>> -> memref<1x320x32xf32, #tpu.memory_space<vmem>>
    %dma_start3A_130 = tpu.memref_squeeze %dma_start3A_129 : memref<1x320x32xf32, #tpu.memory_space<vmem>> -> memref<320x32xf32, #tpu.memory_space<vmem>>
    tpu.enqueue_dma source(%dma_start3A_130 : memref<320x32xf32, #tpu.memory_space<vmem>>) target(%dma_start3A_126 : memref<320x32xf32, #tpu.memory_space<hbm>>) target_semaphore(%arg17 : memref<!tpu.dma_semaphore, #tpu.memory_space<semaphore_mem>>)
    %dma_wait3A_131 = arith.constant 1 : i32
    %dma_wait3A_132 = arith.constant 0 : i32
    %dma_wait3A_133 = arith.constant 0 : i32
    %dma_wait3A_134 = tpu.memref_slice %arg6[%dma_wait3A_131, %dma_wait3A_132, %dma_wait3A_133] : memref<10x320x32xf32, #tpu.memory_space<vmem>> -> memref<1x320x32xf32, #tpu.memory_space<vmem>>
    %dma_wait3A_135 = tpu.memref_squeeze %dma_wait3A_134 : memref<1x320x32xf32, #tpu.memory_space<vmem>> -> memref<320x32xf32, #tpu.memory_space<vmem>>
    %dma_wait3A_136 = arith.constant 22720 : i32
    %dma_wait3A_137 = tpu.memref_slice %arg5[%dma_wait3A_136] : memref<25600xi32, #tpu.memory_space<vmem>> -> memref<320xi32, #tpu.memory_space<vmem>>
    %dma_wait3A_138 = arith.constant 0 : i32
    %dma_wait3A_139 = arith.constant 0 : i32
    %dma_wait3A_140 = tpu.memref_slice %arg3[%dma_wait3A_138, %dma_wait3A_139] : memref<1000000x32xf32, #tpu.memory_space<hbm>> -> memref<1000000x32xf32, #tpu.memory_space<hbm>>
    tpu.wait_indirect_dma semaphore(%arg8 : memref<!tpu.dma_semaphore, #tpu.memory_space<semaphore_mem>>) src(%dma_wait3A_140 : memref<1000000x32xf32, #tpu.memory_space<hbm>>) dst(%dma_wait3A_135 : memref<320x32xf32, #tpu.memory_space<vmem>>)
    %add3A_141 = arith.constant 22720 : i32
    %add3A_142 = arith.addi %multiple_of3A, %add3A_141 : i32
    %dma_start3A_143 = arith.constant 1 : i32
    %dma_start3A_144 = arith.constant 0 : i32
    %dma_start3A_145 = arith.constant 0 : i32
    %dma_start3A_146 = tpu.memref_slice %arg6[%dma_start3A_143, %dma_start3A_144, %dma_start3A_145] : memref<10x320x32xf32, #tpu.memory_space<vmem>> -> memref<1x320x32xf32, #tpu.memory_space<vmem>>
    %dma_start3A_147 = tpu.memref_squeeze %dma_start3A_146 : memref<1x320x32xf32, #tpu.memory_space<vmem>> -> memref<320x32xf32, #tpu.memory_space<vmem>>
    %dma_start3A_148 = arith.constant 0 : i32
    %dma_start3A_149 = tpu.memref_slice %arg4[%add3A_142, %dma_start3A_148] : memref<819200x32xf32, #tpu.memory_space<hbm>> -> memref<320x32xf32, #tpu.memory_space<hbm>>
    %dma_start3A_150 = arith.constant 0 : i32
    %dma_start3A_151 = tpu.memref_slice %arg4[%add3A_142, %dma_start3A_150] : memref<819200x32xf32, #tpu.memory_space<hbm>> -> memref<320x32xf32, #tpu.memory_space<hbm>>
    %dma_start3A_152 = arith.constant 0 : i32
    %dma_start3A_153 = arith.constant 0 : i32
    %dma_start3A_154 = tpu.memref_slice %arg6[%dma_start3A_143, %dma_start3A_152, %dma_start3A_153] : memref<10x320x32xf32, #tpu.memory_space<vmem>> -> memref<1x320x32xf32, #tpu.memory_space<vmem>>
    %dma_start3A_155 = tpu.memref_squeeze %dma_start3A_154 : memref<1x320x32xf32, #tpu.memory_space<vmem>> -> memref<320x32xf32, #tpu.memory_space<vmem>>
    tpu.enqueue_dma source(%dma_start3A_155 : memref<320x32xf32, #tpu.memory_space<vmem>>) target(%dma_start3A_151 : memref<320x32xf32, #tpu.memory_space<hbm>>) target_semaphore(%arg18 : memref<!tpu.dma_semaphore, #tpu.memory_space<semaphore_mem>>)
    %dma_wait3A_156 = arith.constant 2 : i32
    %dma_wait3A_157 = arith.constant 0 : i32
    %dma_wait3A_158 = arith.constant 0 : i32
    %dma_wait3A_159 = tpu.memref_slice %arg6[%dma_wait3A_156, %dma_wait3A_157, %dma_wait3A_158] : memref<10x320x32xf32, #tpu.memory_space<vmem>> -> memref<1x320x32xf32, #tpu.memory_space<vmem>>
    %dma_wait3A_160 = tpu.memref_squeeze %dma_wait3A_159 : memref<1x320x32xf32, #tpu.memory_space<vmem>> -> memref<320x32xf32, #tpu.memory_space<vmem>>
    %dma_wait3A_161 = arith.constant 23040 : i32
    %dma_wait3A_162 = tpu.memref_slice %arg5[%dma_wait3A_161] : memref<25600xi32, #tpu.memory_space<vmem>> -> memref<320xi32, #tpu.memory_space<vmem>>
    %dma_wait3A_163 = arith.constant 0 : i32
    %dma_wait3A_164 = arith.constant 0 : i32
    %dma_wait3A_165 = tpu.memref_slice %arg3[%dma_wait3A_163, %dma_wait3A_164] : memref<1000000x32xf32, #tpu.memory_space<hbm>> -> memref<1000000x32xf32, #tpu.memory_space<hbm>>
    tpu.wait_indirect_dma semaphore(%arg9 : memref<!tpu.dma_semaphore, #tpu.memory_space<semaphore_mem>>) src(%dma_wait3A_165 : memref<1000000x32xf32, #tpu.memory_space<hbm>>) dst(%dma_wait3A_160 : memref<320x32xf32, #tpu.memory_space<vmem>>)
    %add3A_166 = arith.constant 23040 : i32
    %add3A_167 = arith.addi %multiple_of3A, %add3A_166 : i32
    %dma_start3A_168 = arith.constant 2 : i32
    %dma_start3A_169 = arith.constant 0 : i32
    %dma_start3A_170 = arith.constant 0 : i32
    %dma_start3A_171 = tpu.memref_slice %arg6[%dma_start3A_168, %dma_start3A_169, %dma_start3A_170] : memref<10x320x32xf32, #tpu.memory_space<vmem>> -> memref<1x320x32xf32, #tpu.memory_space<vmem>>
    %dma_start3A_172 = tpu.memref_squeeze %dma_start3A_171 : memref<1x320x32xf32, #tpu.memory_space<vmem>> -> memref<320x32xf32, #tpu.memory_space<vmem>>
    %dma_start3A_173 = arith.constant 0 : i32
    %dma_start3A_174 = tpu.memref_slice %arg4[%add3A_167, %dma_start3A_173] : memref<819200x32xf32, #tpu.memory_space<hbm>> -> memref<320x32xf32, #tpu.memory_space<hbm>>
    %dma_start3A_175 = arith.constant 0 : i32
    %dma_start3A_176 = tpu.memref_slice %arg4[%add3A_167, %dma_start3A_175] : memref<819200x32xf32, #tpu.memory_space<hbm>> -> memref<320x32xf32, #tpu.memory_space<hbm>>
    %dma_start3A_177 = arith.constant 0 : i32
    %dma_start3A_178 = arith.constant 0 : i32
    %dma_start3A_179 = tpu.memref_slice %arg6[%dma_start3A_168, %dma_start3A_177, %dma_start3A_178] : memref<10x320x32xf32, #tpu.memory_space<vmem>> -> memref<1x320x32xf32, #tpu.memory_space<vmem>>
    %dma_start3A_180 = tpu.memref_squeeze %dma_start3A_179 : memref<1x320x32xf32, #tpu.memory_space<vmem>> -> memref<320x32xf32, #tpu.memory_space<vmem>>
    tpu.enqueue_dma source(%dma_start3A_180 : memref<320x32xf32, #tpu.memory_space<vmem>>) target(%dma_start3A_176 : memref<320x32xf32, #tpu.memory_space<hbm>>) target_semaphore(%arg19 : memref<!tpu.dma_semaphore, #tpu.memory_space<semaphore_mem>>)
    %dma_wait3A_181 = arith.constant 3 : i32
    %dma_wait3A_182 = arith.constant 0 : i32
    %dma_wait3A_183 = arith.constant 0 : i32
    %dma_wait3A_184 = tpu.memref_slice %arg6[%dma_wait3A_181, %dma_wait3A_182, %dma_wait3A_183] : memref<10x320x32xf32, #tpu.memory_space<vmem>> -> memref<1x320x32xf32, #tpu.memory_space<vmem>>
    %dma_wait3A_185 = tpu.memref_squeeze %dma_wait3A_184 : memref<1x320x32xf32, #tpu.memory_space<vmem>> -> memref<320x32xf32, #tpu.memory_space<vmem>>
    %dma_wait3A_186 = arith.constant 23360 : i32
    %dma_wait3A_187 = tpu.memref_slice %arg5[%dma_wait3A_186] : memref<25600xi32, #tpu.memory_space<vmem>> -> memref<320xi32, #tpu.memory_space<vmem>>
    %dma_wait3A_188 = arith.constant 0 : i32
    %dma_wait3A_189 = arith.constant 0 : i32
    %dma_wait3A_190 = tpu.memref_slice %arg3[%dma_wait3A_188, %dma_wait3A_189] : memref<1000000x32xf32, #tpu.memory_space<hbm>> -> memref<1000000x32xf32, #tpu.memory_space<hbm>>
    tpu.wait_indirect_dma semaphore(%arg10 : memref<!tpu.dma_semaphore, #tpu.memory_space<semaphore_mem>>) src(%dma_wait3A_190 : memref<1000000x32xf32, #tpu.memory_space<hbm>>) dst(%dma_wait3A_185 : memref<320x32xf32, #tpu.memory_space<vmem>>)
    %add3A_191 = arith.constant 23360 : i32
    %add3A_192 = arith.addi %multiple_of3A, %add3A_191 : i32
    %dma_start3A_193 = arith.constant 3 : i32
    %dma_start3A_194 = arith.constant 0 : i32
    %dma_start3A_195 = arith.constant 0 : i32
    %dma_start3A_196 = tpu.memref_slice %arg6[%dma_start3A_193, %dma_start3A_194, %dma_start3A_195] : memref<10x320x32xf32, #tpu.memory_space<vmem>> -> memref<1x320x32xf32, #tpu.memory_space<vmem>>
    %dma_start3A_197 = tpu.memref_squeeze %dma_start3A_196 : memref<1x320x32xf32, #tpu.memory_space<vmem>> -> memref<320x32xf32, #tpu.memory_space<vmem>>
    %dma_start3A_198 = arith.constant 0 : i32
    %dma_start3A_199 = tpu.memref_slice %arg4[%add3A_192, %dma_start3A_198] : memref<819200x32xf32, #tpu.memory_space<hbm>> -> memref<320x32xf32, #tpu.memory_space<hbm>>
    %dma_start3A_200 = arith.constant 0 : i32
    %dma_start3A_201 = tpu.memref_slice %arg4[%add3A_192, %dma_start3A_200] : memref<819200x32xf32, #tpu.memory_space<hbm>> -> memref<320x32xf32, #tpu.memory_space<hbm>>
    %dma_start3A_202 = arith.constant 0 : i32
    %dma_start3A_203 = arith.constant 0 : i32
    %dma_start3A_204 = tpu.memref_slice %arg6[%dma_start3A_193, %dma_start3A_202, %dma_start3A_203] : memref<10x320x32xf32, #tpu.memory_space<vmem>> -> memref<1x320x32xf32, #tpu.memory_space<vmem>>
    %dma_start3A_205 = tpu.memref_squeeze %dma_start3A_204 : memref<1x320x32xf32, #tpu.memory_space<vmem>> -> memref<320x32xf32, #tpu.memory_space<vmem>>
    tpu.enqueue_dma source(%dma_start3A_205 : memref<320x32xf32, #tpu.memory_space<vmem>>) target(%dma_start3A_201 : memref<320x32xf32, #tpu.memory_space<hbm>>) target_semaphore(%arg20 : memref<!tpu.dma_semaphore, #tpu.memory_space<semaphore_mem>>)
    %dma_wait3A_206 = arith.constant 4 : i32
    %dma_wait3A_207 = arith.constant 0 : i32
    %dma_wait3A_208 = arith.constant 0 : i32
    %dma_wait3A_209 = tpu.memref_slice %arg6[%dma_wait3A_206, %dma_wait3A_207, %dma_wait3A_208] : memref<10x320x32xf32, #tpu.memory_space<vmem>> -> memref<1x320x32xf32, #tpu.memory_space<vmem>>
    %dma_wait3A_210 = tpu.memref_squeeze %dma_wait3A_209 : memref<1x320x32xf32, #tpu.memory_space<vmem>> -> memref<320x32xf32, #tpu.memory_space<vmem>>
    %dma_wait3A_211 = arith.constant 23680 : i32
    %dma_wait3A_212 = tpu.memref_slice %arg5[%dma_wait3A_211] : memref<25600xi32, #tpu.memory_space<vmem>> -> memref<320xi32, #tpu.memory_space<vmem>>
    %dma_wait3A_213 = arith.constant 0 : i32
    %dma_wait3A_214 = arith.constant 0 : i32
    %dma_wait3A_215 = tpu.memref_slice %arg3[%dma_wait3A_213, %dma_wait3A_214] : memref<1000000x32xf32, #tpu.memory_space<hbm>> -> memref<1000000x32xf32, #tpu.memory_space<hbm>>
    tpu.wait_indirect_dma semaphore(%arg11 : memref<!tpu.dma_semaphore, #tpu.memory_space<semaphore_mem>>) src(%dma_wait3A_215 : memref<1000000x32xf32, #tpu.memory_space<hbm>>) dst(%dma_wait3A_210 : memref<320x32xf32, #tpu.memory_space<vmem>>)
    %add3A_216 = arith.constant 23680 : i32
    %add3A_217 = arith.addi %multiple_of3A, %add3A_216 : i32
    %dma_start3A_218 = arith.constant 4 : i32
    %dma_start3A_219 = arith.constant 0 : i32
    %dma_start3A_220 = arith.constant 0 : i32
    %dma_start3A_221 = tpu.memref_slice %arg6[%dma_start3A_218, %dma_start3A_219, %dma_start3A_220] : memref<10x320x32xf32, #tpu.memory_space<vmem>> -> memref<1x320x32xf32, #tpu.memory_space<vmem>>
    %dma_start3A_222 = tpu.memref_squeeze %dma_start3A_221 : memref<1x320x32xf32, #tpu.memory_space<vmem>> -> memref<320x32xf32, #tpu.memory_space<vmem>>
    %dma_start3A_223 = arith.constant 0 : i32
    %dma_start3A_224 = tpu.memref_slice %arg4[%add3A_217, %dma_start3A_223] : memref<819200x32xf32, #tpu.memory_space<hbm>> -> memref<320x32xf32, #tpu.memory_space<hbm>>
    %dma_start3A_225 = arith.constant 0 : i32
    %dma_start3A_226 = tpu.memref_slice %arg4[%add3A_217, %dma_start3A_225] : memref<819200x32xf32, #tpu.memory_space<hbm>> -> memref<320x32xf32, #tpu.memory_space<hbm>>
    %dma_start3A_227 = arith.constant 0 : i32
    %dma_start3A_228 = arith.constant 0 : i32
    %dma_start3A_229 = tpu.memref_slice %arg6[%dma_start3A_218, %dma_start3A_227, %dma_start3A_228] : memref<10x320x32xf32, #tpu.memory_space<vmem>> -> memref<1x320x32xf32, #tpu.memory_space<vmem>>
    %dma_start3A_230 = tpu.memref_squeeze %dma_start3A_229 : memref<1x320x32xf32, #tpu.memory_space<vmem>> -> memref<320x32xf32, #tpu.memory_space<vmem>>
    tpu.enqueue_dma source(%dma_start3A_230 : memref<320x32xf32, #tpu.memory_space<vmem>>) target(%dma_start3A_226 : memref<320x32xf32, #tpu.memory_space<hbm>>) target_semaphore(%arg21 : memref<!tpu.dma_semaphore, #tpu.memory_space<semaphore_mem>>)
    %dma_wait3A_231 = arith.constant 5 : i32
    %dma_wait3A_232 = arith.constant 0 : i32
    %dma_wait3A_233 = arith.constant 0 : i32
    %dma_wait3A_234 = tpu.memref_slice %arg6[%dma_wait3A_231, %dma_wait3A_232, %dma_wait3A_233] : memref<10x320x32xf32, #tpu.memory_space<vmem>> -> memref<1x320x32xf32, #tpu.memory_space<vmem>>
    %dma_wait3A_235 = tpu.memref_squeeze %dma_wait3A_234 : memref<1x320x32xf32, #tpu.memory_space<vmem>> -> memref<320x32xf32, #tpu.memory_space<vmem>>
    %dma_wait3A_236 = arith.constant 24000 : i32
    %dma_wait3A_237 = tpu.memref_slice %arg5[%dma_wait3A_236] : memref<25600xi32, #tpu.memory_space<vmem>> -> memref<320xi32, #tpu.memory_space<vmem>>
    %dma_wait3A_238 = arith.constant 0 : i32
    %dma_wait3A_239 = arith.constant 0 : i32
    %dma_wait3A_240 = tpu.memref_slice %arg3[%dma_wait3A_238, %dma_wait3A_239] : memref<1000000x32xf32, #tpu.memory_space<hbm>> -> memref<1000000x32xf32, #tpu.memory_space<hbm>>
    tpu.wait_indirect_dma semaphore(%arg12 : memref<!tpu.dma_semaphore, #tpu.memory_space<semaphore_mem>>) src(%dma_wait3A_240 : memref<1000000x32xf32, #tpu.memory_space<hbm>>) dst(%dma_wait3A_235 : memref<320x32xf32, #tpu.memory_space<vmem>>)
    %add3A_241 = arith.constant 24000 : i32
    %add3A_242 = arith.addi %multiple_of3A, %add3A_241 : i32
    %dma_start3A_243 = arith.constant 5 : i32
    %dma_start3A_244 = arith.constant 0 : i32
    %dma_start3A_245 = arith.constant 0 : i32
    %dma_start3A_246 = tpu.memref_slice %arg6[%dma_start3A_243, %dma_start3A_244, %dma_start3A_245] : memref<10x320x32xf32, #tpu.memory_space<vmem>> -> memref<1x320x32xf32, #tpu.memory_space<vmem>>
    %dma_start3A_247 = tpu.memref_squeeze %dma_start3A_246 : memref<1x320x32xf32, #tpu.memory_space<vmem>> -> memref<320x32xf32, #tpu.memory_space<vmem>>
    %dma_start3A_248 = arith.constant 0 : i32
    %dma_start3A_249 = tpu.memref_slice %arg4[%add3A_242, %dma_start3A_248] : memref<819200x32xf32, #tpu.memory_space<hbm>> -> memref<320x32xf32, #tpu.memory_space<hbm>>
    %dma_start3A_250 = arith.constant 0 : i32
    %dma_start3A_251 = tpu.memref_slice %arg4[%add3A_242, %dma_start3A_250] : memref<819200x32xf32, #tpu.memory_space<hbm>> -> memref<320x32xf32, #tpu.memory_space<hbm>>
    %dma_start3A_252 = arith.constant 0 : i32
    %dma_start3A_253 = arith.constant 0 : i32
    %dma_start3A_254 = tpu.memref_slice %arg6[%dma_start3A_243, %dma_start3A_252, %dma_start3A_253] : memref<10x320x32xf32, #tpu.memory_space<vmem>> -> memref<1x320x32xf32, #tpu.memory_space<vmem>>
    %dma_start3A_255 = tpu.memref_squeeze %dma_start3A_254 : memref<1x320x32xf32, #tpu.memory_space<vmem>> -> memref<320x32xf32, #tpu.memory_space<vmem>>
    tpu.enqueue_dma source(%dma_start3A_255 : memref<320x32xf32, #tpu.memory_space<vmem>>) target(%dma_start3A_251 : memref<320x32xf32, #tpu.memory_space<hbm>>) target_semaphore(%arg22 : memref<!tpu.dma_semaphore, #tpu.memory_space<semaphore_mem>>)
    %dma_wait3A_256 = arith.constant 6 : i32
    %dma_wait3A_257 = arith.constant 0 : i32
    %dma_wait3A_258 = arith.constant 0 : i32
    %dma_wait3A_259 = tpu.memref_slice %arg6[%dma_wait3A_256, %dma_wait3A_257, %dma_wait3A_258] : memref<10x320x32xf32, #tpu.memory_space<vmem>> -> memref<1x320x32xf32, #tpu.memory_space<vmem>>
    %dma_wait3A_260 = tpu.memref_squeeze %dma_wait3A_259 : memref<1x320x32xf32, #tpu.memory_space<vmem>> -> memref<320x32xf32, #tpu.memory_space<vmem>>
    %dma_wait3A_261 = arith.constant 24320 : i32
    %dma_wait3A_262 = tpu.memref_slice %arg5[%dma_wait3A_261] : memref<25600xi32, #tpu.memory_space<vmem>> -> memref<320xi32, #tpu.memory_space<vmem>>
    %dma_wait3A_263 = arith.constant 0 : i32
    %dma_wait3A_264 = arith.constant 0 : i32
    %dma_wait3A_265 = tpu.memref_slice %arg3[%dma_wait3A_263, %dma_wait3A_264] : memref<1000000x32xf32, #tpu.memory_space<hbm>> -> memref<1000000x32xf32, #tpu.memory_space<hbm>>
    tpu.wait_indirect_dma semaphore(%arg13 : memref<!tpu.dma_semaphore, #tpu.memory_space<semaphore_mem>>) src(%dma_wait3A_265 : memref<1000000x32xf32, #tpu.memory_space<hbm>>) dst(%dma_wait3A_260 : memref<320x32xf32, #tpu.memory_space<vmem>>)
    %add3A_266 = arith.constant 24320 : i32
    %add3A_267 = arith.addi %multiple_of3A, %add3A_266 : i32
    %dma_start3A_268 = arith.constant 6 : i32
    %dma_start3A_269 = arith.constant 0 : i32
    %dma_start3A_270 = arith.constant 0 : i32
    %dma_start3A_271 = tpu.memref_slice %arg6[%dma_start3A_268, %dma_start3A_269, %dma_start3A_270] : memref<10x320x32xf32, #tpu.memory_space<vmem>> -> memref<1x320x32xf32, #tpu.memory_space<vmem>>
    %dma_start3A_272 = tpu.memref_squeeze %dma_start3A_271 : memref<1x320x32xf32, #tpu.memory_space<vmem>> -> memref<320x32xf32, #tpu.memory_space<vmem>>
    %dma_start3A_273 = arith.constant 0 : i32
    %dma_start3A_274 = tpu.memref_slice %arg4[%add3A_267, %dma_start3A_273] : memref<819200x32xf32, #tpu.memory_space<hbm>> -> memref<320x32xf32, #tpu.memory_space<hbm>>
    %dma_start3A_275 = arith.constant 0 : i32
    %dma_start3A_276 = tpu.memref_slice %arg4[%add3A_267, %dma_start3A_275] : memref<819200x32xf32, #tpu.memory_space<hbm>> -> memref<320x32xf32, #tpu.memory_space<hbm>>
    %dma_start3A_277 = arith.constant 0 : i32
    %dma_start3A_278 = arith.constant 0 : i32
    %dma_start3A_279 = tpu.memref_slice %arg6[%dma_start3A_268, %dma_start3A_277, %dma_start3A_278] : memref<10x320x32xf32, #tpu.memory_space<vmem>> -> memref<1x320x32xf32, #tpu.memory_space<vmem>>
    %dma_start3A_280 = tpu.memref_squeeze %dma_start3A_279 : memref<1x320x32xf32, #tpu.memory_space<vmem>> -> memref<320x32xf32, #tpu.memory_space<vmem>>
    tpu.enqueue_dma source(%dma_start3A_280 : memref<320x32xf32, #tpu.memory_space<vmem>>) target(%dma_start3A_276 : memref<320x32xf32, #tpu.memory_space<hbm>>) target_semaphore(%arg23 : memref<!tpu.dma_semaphore, #tpu.memory_space<semaphore_mem>>)
    %dma_wait3A_281 = arith.constant 7 : i32
    %dma_wait3A_282 = arith.constant 0 : i32
    %dma_wait3A_283 = arith.constant 0 : i32
    %dma_wait3A_284 = tpu.memref_slice %arg6[%dma_wait3A_281, %dma_wait3A_282, %dma_wait3A_283] : memref<10x320x32xf32, #tpu.memory_space<vmem>> -> memref<1x320x32xf32, #tpu.memory_space<vmem>>
    %dma_wait3A_285 = tpu.memref_squeeze %dma_wait3A_284 : memref<1x320x32xf32, #tpu.memory_space<vmem>> -> memref<320x32xf32, #tpu.memory_space<vmem>>
    %dma_wait3A_286 = arith.constant 24640 : i32
    %dma_wait3A_287 = tpu.memref_slice %arg5[%dma_wait3A_286] : memref<25600xi32, #tpu.memory_space<vmem>> -> memref<320xi32, #tpu.memory_space<vmem>>
    %dma_wait3A_288 = arith.constant 0 : i32
    %dma_wait3A_289 = arith.constant 0 : i32
    %dma_wait3A_290 = tpu.memref_slice %arg3[%dma_wait3A_288, %dma_wait3A_289] : memref<1000000x32xf32, #tpu.memory_space<hbm>> -> memref<1000000x32xf32, #tpu.memory_space<hbm>>
    tpu.wait_indirect_dma semaphore(%arg14 : memref<!tpu.dma_semaphore, #tpu.memory_space<semaphore_mem>>) src(%dma_wait3A_290 : memref<1000000x32xf32, #tpu.memory_space<hbm>>) dst(%dma_wait3A_285 : memref<320x32xf32, #tpu.memory_space<vmem>>)
    %add3A_291 = arith.constant 24640 : i32
    %add3A_292 = arith.addi %multiple_of3A, %add3A_291 : i32
    %dma_start3A_293 = arith.constant 7 : i32
    %dma_start3A_294 = arith.constant 0 : i32
    %dma_start3A_295 = arith.constant 0 : i32
    %dma_start3A_296 = tpu.memref_slice %arg6[%dma_start3A_293, %dma_start3A_294, %dma_start3A_295] : memref<10x320x32xf32, #tpu.memory_space<vmem>> -> memref<1x320x32xf32, #tpu.memory_space<vmem>>
    %dma_start3A_297 = tpu.memref_squeeze %dma_start3A_296 : memref<1x320x32xf32, #tpu.memory_space<vmem>> -> memref<320x32xf32, #tpu.memory_space<vmem>>
    %dma_start3A_298 = arith.constant 0 : i32
    %dma_start3A_299 = tpu.memref_slice %arg4[%add3A_292, %dma_start3A_298] : memref<819200x32xf32, #tpu.memory_space<hbm>> -> memref<320x32xf32, #tpu.memory_space<hbm>>
    %dma_start3A_300 = arith.constant 0 : i32
    %dma_start3A_301 = tpu.memref_slice %arg4[%add3A_292, %dma_start3A_300] : memref<819200x32xf32, #tpu.memory_space<hbm>> -> memref<320x32xf32, #tpu.memory_space<hbm>>
    %dma_start3A_302 = arith.constant 0 : i32
    %dma_start3A_303 = arith.constant 0 : i32
    %dma_start3A_304 = tpu.memref_slice %arg6[%dma_start3A_293, %dma_start3A_302, %dma_start3A_303] : memref<10x320x32xf32, #tpu.memory_space<vmem>> -> memref<1x320x32xf32, #tpu.memory_space<vmem>>
    %dma_start3A_305 = tpu.memref_squeeze %dma_start3A_304 : memref<1x320x32xf32, #tpu.memory_space<vmem>> -> memref<320x32xf32, #tpu.memory_space<vmem>>
    tpu.enqueue_dma source(%dma_start3A_305 : memref<320x32xf32, #tpu.memory_space<vmem>>) target(%dma_start3A_301 : memref<320x32xf32, #tpu.memory_space<hbm>>) target_semaphore(%arg24 : memref<!tpu.dma_semaphore, #tpu.memory_space<semaphore_mem>>)
    %dma_wait3A_306 = arith.constant 8 : i32
    %dma_wait3A_307 = arith.constant 0 : i32
    %dma_wait3A_308 = arith.constant 0 : i32
    %dma_wait3A_309 = tpu.memref_slice %arg6[%dma_wait3A_306, %dma_wait3A_307, %dma_wait3A_308] : memref<10x320x32xf32, #tpu.memory_space<vmem>> -> memref<1x320x32xf32, #tpu.memory_space<vmem>>
    %dma_wait3A_310 = tpu.memref_squeeze %dma_wait3A_309 : memref<1x320x32xf32, #tpu.memory_space<vmem>> -> memref<320x32xf32, #tpu.memory_space<vmem>>
    %dma_wait3A_311 = arith.constant 24960 : i32
    %dma_wait3A_312 = tpu.memref_slice %arg5[%dma_wait3A_311] : memref<25600xi32, #tpu.memory_space<vmem>> -> memref<320xi32, #tpu.memory_space<vmem>>
    %dma_wait3A_313 = arith.constant 0 : i32
    %dma_wait3A_314 = arith.constant 0 : i32
    %dma_wait3A_315 = tpu.memref_slice %arg3[%dma_wait3A_313, %dma_wait3A_314] : memref<1000000x32xf32, #tpu.memory_space<hbm>> -> memref<1000000x32xf32, #tpu.memory_space<hbm>>
    tpu.wait_indirect_dma semaphore(%arg15 : memref<!tpu.dma_semaphore, #tpu.memory_space<semaphore_mem>>) src(%dma_wait3A_315 : memref<1000000x32xf32, #tpu.memory_space<hbm>>) dst(%dma_wait3A_310 : memref<320x32xf32, #tpu.memory_space<vmem>>)
    %add3A_316 = arith.constant 24960 : i32
    %add3A_317 = arith.addi %multiple_of3A, %add3A_316 : i32
    %dma_start3A_318 = arith.constant 8 : i32
    %dma_start3A_319 = arith.constant 0 : i32
    %dma_start3A_320 = arith.constant 0 : i32
    %dma_start3A_321 = tpu.memref_slice %arg6[%dma_start3A_318, %dma_start3A_319, %dma_start3A_320] : memref<10x320x32xf32, #tpu.memory_space<vmem>> -> memref<1x320x32xf32, #tpu.memory_space<vmem>>
    %dma_start3A_322 = tpu.memref_squeeze %dma_start3A_321 : memref<1x320x32xf32, #tpu.memory_space<vmem>> -> memref<320x32xf32, #tpu.memory_space<vmem>>
    %dma_start3A_323 = arith.constant 0 : i32
    %dma_start3A_324 = tpu.memref_slice %arg4[%add3A_317, %dma_start3A_323] : memref<819200x32xf32, #tpu.memory_space<hbm>> -> memref<320x32xf32, #tpu.memory_space<hbm>>
    %dma_start3A_325 = arith.constant 0 : i32
    %dma_start3A_326 = tpu.memref_slice %arg4[%add3A_317, %dma_start3A_325] : memref<819200x32xf32, #tpu.memory_space<hbm>> -> memref<320x32xf32, #tpu.memory_space<hbm>>
    %dma_start3A_327 = arith.constant 0 : i32
    %dma_start3A_328 = arith.constant 0 : i32
    %dma_start3A_329 = tpu.memref_slice %arg6[%dma_start3A_318, %dma_start3A_327, %dma_start3A_328] : memref<10x320x32xf32, #tpu.memory_space<vmem>> -> memref<1x320x32xf32, #tpu.memory_space<vmem>>
    %dma_start3A_330 = tpu.memref_squeeze %dma_start3A_329 : memref<1x320x32xf32, #tpu.memory_space<vmem>> -> memref<320x32xf32, #tpu.memory_space<vmem>>
    tpu.enqueue_dma source(%dma_start3A_330 : memref<320x32xf32, #tpu.memory_space<vmem>>) target(%dma_start3A_326 : memref<320x32xf32, #tpu.memory_space<hbm>>) target_semaphore(%arg25 : memref<!tpu.dma_semaphore, #tpu.memory_space<semaphore_mem>>)
    %dma_wait3A_331 = arith.constant 9 : i32
    %dma_wait3A_332 = arith.constant 0 : i32
    %dma_wait3A_333 = arith.constant 0 : i32
    %dma_wait3A_334 = tpu.memref_slice %arg6[%dma_wait3A_331, %dma_wait3A_332, %dma_wait3A_333] : memref<10x320x32xf32, #tpu.memory_space<vmem>> -> memref<1x320x32xf32, #tpu.memory_space<vmem>>
    %dma_wait3A_335 = tpu.memref_squeeze %dma_wait3A_334 : memref<1x320x32xf32, #tpu.memory_space<vmem>> -> memref<320x32xf32, #tpu.memory_space<vmem>>
    %dma_wait3A_336 = arith.constant 25280 : i32
    %dma_wait3A_337 = tpu.memref_slice %arg5[%dma_wait3A_336] : memref<25600xi32, #tpu.memory_space<vmem>> -> memref<320xi32, #tpu.memory_space<vmem>>
    %dma_wait3A_338 = arith.constant 0 : i32
    %dma_wait3A_339 = arith.constant 0 : i32
    %dma_wait3A_340 = tpu.memref_slice %arg3[%dma_wait3A_338, %dma_wait3A_339] : memref<1000000x32xf32, #tpu.memory_space<hbm>> -> memref<1000000x32xf32, #tpu.memory_space<hbm>>
    tpu.wait_indirect_dma semaphore(%arg16 : memref<!tpu.dma_semaphore, #tpu.memory_space<semaphore_mem>>) src(%dma_wait3A_340 : memref<1000000x32xf32, #tpu.memory_space<hbm>>) dst(%dma_wait3A_335 : memref<320x32xf32, #tpu.memory_space<vmem>>)
    %add3A_341 = arith.constant 25280 : i32
    %add3A_342 = arith.addi %multiple_of3A, %add3A_341 : i32
    %dma_start3A_343 = arith.constant 9 : i32
    %dma_start3A_344 = arith.constant 0 : i32
    %dma_start3A_345 = arith.constant 0 : i32
    %dma_start3A_346 = tpu.memref_slice %arg6[%dma_start3A_343, %dma_start3A_344, %dma_start3A_345] : memref<10x320x32xf32, #tpu.memory_space<vmem>> -> memref<1x320x32xf32, #tpu.memory_space<vmem>>
    %dma_start3A_347 = tpu.memref_squeeze %dma_start3A_346 : memref<1x320x32xf32, #tpu.memory_space<vmem>> -> memref<320x32xf32, #tpu.memory_space<vmem>>
    %dma_start3A_348 = arith.constant 0 : i32
    %dma_start3A_349 = tpu.memref_slice %arg4[%add3A_342, %dma_start3A_348] : memref<819200x32xf32, #tpu.memory_space<hbm>> -> memref<320x32xf32, #tpu.memory_space<hbm>>
    %dma_start3A_350 = arith.constant 0 : i32
    %dma_start3A_351 = tpu.memref_slice %arg4[%add3A_342, %dma_start3A_350] : memref<819200x32xf32, #tpu.memory_space<hbm>> -> memref<320x32xf32, #tpu.memory_space<hbm>>
    %dma_start3A_352 = arith.constant 0 : i32
    %dma_start3A_353 = arith.constant 0 : i32
    %dma_start3A_354 = tpu.memref_slice %arg6[%dma_start3A_343, %dma_start3A_352, %dma_start3A_353] : memref<10x320x32xf32, #tpu.memory_space<vmem>> -> memref<1x320x32xf32, #tpu.memory_space<vmem>>
    %dma_start3A_355 = tpu.memref_squeeze %dma_start3A_354 : memref<1x320x32xf32, #tpu.memory_space<vmem>> -> memref<320x32xf32, #tpu.memory_space<vmem>>
    tpu.enqueue_dma source(%dma_start3A_355 : memref<320x32xf32, #tpu.memory_space<vmem>>) target(%dma_start3A_351 : memref<320x32xf32, #tpu.memory_space<hbm>>) target_semaphore(%arg26 : memref<!tpu.dma_semaphore, #tpu.memory_space<semaphore_mem>>)
    %add3A_356 = arith.constant 22400 : i32
    %add3A_357 = arith.addi %multiple_of3A, %add3A_356 : i32
    %dma_wait3A_358 = arith.constant 0 : i32
    %dma_wait3A_359 = arith.constant 0 : i32
    %dma_wait3A_360 = arith.constant 0 : i32
    %dma_wait3A_361 = tpu.memref_slice %arg6[%dma_wait3A_358, %dma_wait3A_359, %dma_wait3A_360] : memref<10x320x32xf32, #tpu.memory_space<vmem>> -> memref<1x320x32xf32, #tpu.memory_space<vmem>>
    %dma_wait3A_362 = tpu.memref_squeeze %dma_wait3A_361 : memref<1x320x32xf32, #tpu.memory_space<vmem>> -> memref<320x32xf32, #tpu.memory_space<vmem>>
    %dma_wait3A_363 = arith.constant 0 : i32
    %dma_wait3A_364 = tpu.memref_slice %arg4[%add3A_357, %dma_wait3A_363] : memref<819200x32xf32, #tpu.memory_space<hbm>> -> memref<320x32xf32, #tpu.memory_space<hbm>>
    %dma_wait3A_365 = arith.constant 0 : i32
    %dma_wait3A_366 = tpu.memref_slice %arg4[%add3A_357, %dma_wait3A_365] : memref<819200x32xf32, #tpu.memory_space<hbm>> -> memref<320x32xf32, #tpu.memory_space<hbm>>
    %dma_wait3A_367 = arith.constant 0 : i32
    %dma_wait3A_368 = arith.constant 0 : i32
    %dma_wait3A_369 = tpu.memref_slice %arg6[%dma_wait3A_358, %dma_wait3A_367, %dma_wait3A_368] : memref<10x320x32xf32, #tpu.memory_space<vmem>> -> memref<1x320x32xf32, #tpu.memory_space<vmem>>
    %dma_wait3A_370 = tpu.memref_squeeze %dma_wait3A_369 : memref<1x320x32xf32, #tpu.memory_space<vmem>> -> memref<320x32xf32, #tpu.memory_space<vmem>>
    tpu.wait_dma2 semaphore(%arg17 : memref<!tpu.dma_semaphore, #tpu.memory_space<semaphore_mem>>) src(%dma_wait3A_370 : memref<320x32xf32, #tpu.memory_space<vmem>>) dst(%dma_wait3A_366 : memref<320x32xf32, #tpu.memory_space<hbm>>)
    %add3A_371 = arith.constant 22720 : i32
    %add3A_372 = arith.addi %multiple_of3A, %add3A_371 : i32
    %dma_wait3A_373 = arith.constant 1 : i32
    %dma_wait3A_374 = arith.constant 0 : i32
    %dma_wait3A_375 = arith.constant 0 : i32
    %dma_wait3A_376 = tpu.memref_slice %arg6[%dma_wait3A_373, %dma_wait3A_374, %dma_wait3A_375] : memref<10x320x32xf32, #tpu.memory_space<vmem>> -> memref<1x320x32xf32, #tpu.memory_space<vmem>>
    %dma_wait3A_377 = tpu.memref_squeeze %dma_wait3A_376 : memref<1x320x32xf32, #tpu.memory_space<vmem>> -> memref<320x32xf32, #tpu.memory_space<vmem>>
    %dma_wait3A_378 = arith.constant 0 : i32
    %dma_wait3A_379 = tpu.memref_slice %arg4[%add3A_372, %dma_wait3A_378] : memref<819200x32xf32, #tpu.memory_space<hbm>> -> memref<320x32xf32, #tpu.memory_space<hbm>>
    %dma_wait3A_380 = arith.constant 0 : i32
    %dma_wait3A_381 = tpu.memref_slice %arg4[%add3A_372, %dma_wait3A_380] : memref<819200x32xf32, #tpu.memory_space<hbm>> -> memref<320x32xf32, #tpu.memory_space<hbm>>
    %dma_wait3A_382 = arith.constant 0 : i32
    %dma_wait3A_383 = arith.constant 0 : i32
    %dma_wait3A_384 = tpu.memref_slice %arg6[%dma_wait3A_373, %dma_wait3A_382, %dma_wait3A_383] : memref<10x320x32xf32, #tpu.memory_space<vmem>> -> memref<1x320x32xf32, #tpu.memory_space<vmem>>
    %dma_wait3A_385 = tpu.memref_squeeze %dma_wait3A_384 : memref<1x320x32xf32, #tpu.memory_space<vmem>> -> memref<320x32xf32, #tpu.memory_space<vmem>>
    tpu.wait_dma2 semaphore(%arg18 : memref<!tpu.dma_semaphore, #tpu.memory_space<semaphore_mem>>) src(%dma_wait3A_385 : memref<320x32xf32, #tpu.memory_space<vmem>>) dst(%dma_wait3A_381 : memref<320x32xf32, #tpu.memory_space<hbm>>)
    %add3A_386 = arith.constant 23040 : i32
    %add3A_387 = arith.addi %multiple_of3A, %add3A_386 : i32
    %dma_wait3A_388 = arith.constant 2 : i32
    %dma_wait3A_389 = arith.constant 0 : i32
    %dma_wait3A_390 = arith.constant 0 : i32
    %dma_wait3A_391 = tpu.memref_slice %arg6[%dma_wait3A_388, %dma_wait3A_389, %dma_wait3A_390] : memref<10x320x32xf32, #tpu.memory_space<vmem>> -> memref<1x320x32xf32, #tpu.memory_space<vmem>>
    %dma_wait3A_392 = tpu.memref_squeeze %dma_wait3A_391 : memref<1x320x32xf32, #tpu.memory_space<vmem>> -> memref<320x32xf32, #tpu.memory_space<vmem>>
    %dma_wait3A_393 = arith.constant 0 : i32
    %dma_wait3A_394 = tpu.memref_slice %arg4[%add3A_387, %dma_wait3A_393] : memref<819200x32xf32, #tpu.memory_space<hbm>> -> memref<320x32xf32, #tpu.memory_space<hbm>>
    %dma_wait3A_395 = arith.constant 0 : i32
    %dma_wait3A_396 = tpu.memref_slice %arg4[%add3A_387, %dma_wait3A_395] : memref<819200x32xf32, #tpu.memory_space<hbm>> -> memref<320x32xf32, #tpu.memory_space<hbm>>
    %dma_wait3A_397 = arith.constant 0 : i32
    %dma_wait3A_398 = arith.constant 0 : i32
    %dma_wait3A_399 = tpu.memref_slice %arg6[%dma_wait3A_388, %dma_wait3A_397, %dma_wait3A_398] : memref<10x320x32xf32, #tpu.memory_space<vmem>> -> memref<1x320x32xf32, #tpu.memory_space<vmem>>
    %dma_wait3A_400 = tpu.memref_squeeze %dma_wait3A_399 : memref<1x320x32xf32, #tpu.memory_space<vmem>> -> memref<320x32xf32, #tpu.memory_space<vmem>>
    tpu.wait_dma2 semaphore(%arg19 : memref<!tpu.dma_semaphore, #tpu.memory_space<semaphore_mem>>) src(%dma_wait3A_400 : memref<320x32xf32, #tpu.memory_space<vmem>>) dst(%dma_wait3A_396 : memref<320x32xf32, #tpu.memory_space<hbm>>)
    %add3A_401 = arith.constant 23360 : i32
    %add3A_402 = arith.addi %multiple_of3A, %add3A_401 : i32
    %dma_wait3A_403 = arith.constant 3 : i32
    %dma_wait3A_404 = arith.constant 0 : i32
    %dma_wait3A_405 = arith.constant 0 : i32
    %dma_wait3A_406 = tpu.memref_slice %arg6[%dma_wait3A_403, %dma_wait3A_404, %dma_wait3A_405] : memref<10x320x32xf32, #tpu.memory_space<vmem>> -> memref<1x320x32xf32, #tpu.memory_space<vmem>>
    %dma_wait3A_407 = tpu.memref_squeeze %dma_wait3A_406 : memref<1x320x32xf32, #tpu.memory_space<vmem>> -> memref<320x32xf32, #tpu.memory_space<vmem>>
    %dma_wait3A_408 = arith.constant 0 : i32
    %dma_wait3A_409 = tpu.memref_slice %arg4[%add3A_402, %dma_wait3A_408] : memref<819200x32xf32, #tpu.memory_space<hbm>> -> memref<320x32xf32, #tpu.memory_space<hbm>>
    %dma_wait3A_410 = arith.constant 0 : i32
    %dma_wait3A_411 = tpu.memref_slice %arg4[%add3A_402, %dma_wait3A_410] : memref<819200x32xf32, #tpu.memory_space<hbm>> -> memref<320x32xf32, #tpu.memory_space<hbm>>
    %dma_wait3A_412 = arith.constant 0 : i32
    %dma_wait3A_413 = arith.constant 0 : i32
    %dma_wait3A_414 = tpu.memref_slice %arg6[%dma_wait3A_403, %dma_wait3A_412, %dma_wait3A_413] : memref<10x320x32xf32, #tpu.memory_space<vmem>> -> memref<1x320x32xf32, #tpu.memory_space<vmem>>
    %dma_wait3A_415 = tpu.memref_squeeze %dma_wait3A_414 : memref<1x320x32xf32, #tpu.memory_space<vmem>> -> memref<320x32xf32, #tpu.memory_space<vmem>>
    tpu.wait_dma2 semaphore(%arg20 : memref<!tpu.dma_semaphore, #tpu.memory_space<semaphore_mem>>) src(%dma_wait3A_415 : memref<320x32xf32, #tpu.memory_space<vmem>>) dst(%dma_wait3A_411 : memref<320x32xf32, #tpu.memory_space<hbm>>)
    %add3A_416 = arith.constant 23680 : i32
    %add3A_417 = arith.addi %multiple_of3A, %add3A_416 : i32
    %dma_wait3A_418 = arith.constant 4 : i32
    %dma_wait3A_419 = arith.constant 0 : i32
    %dma_wait3A_420 = arith.constant 0 : i32
    %dma_wait3A_421 = tpu.memref_slice %arg6[%dma_wait3A_418, %dma_wait3A_419, %dma_wait3A_420] : memref<10x320x32xf32, #tpu.memory_space<vmem>> -> memref<1x320x32xf32, #tpu.memory_space<vmem>>
    %dma_wait3A_422 = tpu.memref_squeeze %dma_wait3A_421 : memref<1x320x32xf32, #tpu.memory_space<vmem>> -> memref<320x32xf32, #tpu.memory_space<vmem>>
    %dma_wait3A_423 = arith.constant 0 : i32
    %dma_wait3A_424 = tpu.memref_slice %arg4[%add3A_417, %dma_wait3A_423] : memref<819200x32xf32, #tpu.memory_space<hbm>> -> memref<320x32xf32, #tpu.memory_space<hbm>>
    %dma_wait3A_425 = arith.constant 0 : i32
    %dma_wait3A_426 = tpu.memref_slice %arg4[%add3A_417, %dma_wait3A_425] : memref<819200x32xf32, #tpu.memory_space<hbm>> -> memref<320x32xf32, #tpu.memory_space<hbm>>
    %dma_wait3A_427 = arith.constant 0 : i32
    %dma_wait3A_428 = arith.constant 0 : i32
    %dma_wait3A_429 = tpu.memref_slice %arg6[%dma_wait3A_418, %dma_wait3A_427, %dma_wait3A_428] : memref<10x320x32xf32, #tpu.memory_space<vmem>> -> memref<1x320x32xf32, #tpu.memory_space<vmem>>
    %dma_wait3A_430 = tpu.memref_squeeze %dma_wait3A_429 : memref<1x320x32xf32, #tpu.memory_space<vmem>> -> memref<320x32xf32, #tpu.memory_space<vmem>>
    tpu.wait_dma2 semaphore(%arg21 : memref<!tpu.dma_semaphore, #tpu.memory_space<semaphore_mem>>) src(%dma_wait3A_430 : memref<320x32xf32, #tpu.memory_space<vmem>>) dst(%dma_wait3A_426 : memref<320x32xf32, #tpu.memory_space<hbm>>)
    %add3A_431 = arith.constant 24000 : i32
    %add3A_432 = arith.addi %multiple_of3A, %add3A_431 : i32
    %dma_wait3A_433 = arith.constant 5 : i32
    %dma_wait3A_434 = arith.constant 0 : i32
    %dma_wait3A_435 = arith.constant 0 : i32
    %dma_wait3A_436 = tpu.memref_slice %arg6[%dma_wait3A_433, %dma_wait3A_434, %dma_wait3A_435] : memref<10x320x32xf32, #tpu.memory_space<vmem>> -> memref<1x320x32xf32, #tpu.memory_space<vmem>>
    %dma_wait3A_437 = tpu.memref_squeeze %dma_wait3A_436 : memref<1x320x32xf32, #tpu.memory_space<vmem>> -> memref<320x32xf32, #tpu.memory_space<vmem>>
    %dma_wait3A_438 = arith.constant 0 : i32
    %dma_wait3A_439 = tpu.memref_slice %arg4[%add3A_432, %dma_wait3A_438] : memref<819200x32xf32, #tpu.memory_space<hbm>> -> memref<320x32xf32, #tpu.memory_space<hbm>>
    %dma_wait3A_440 = arith.constant 0 : i32
    %dma_wait3A_441 = tpu.memref_slice %arg4[%add3A_432, %dma_wait3A_440] : memref<819200x32xf32, #tpu.memory_space<hbm>> -> memref<320x32xf32, #tpu.memory_space<hbm>>
    %dma_wait3A_442 = arith.constant 0 : i32
    %dma_wait3A_443 = arith.constant 0 : i32
    %dma_wait3A_444 = tpu.memref_slice %arg6[%dma_wait3A_433, %dma_wait3A_442, %dma_wait3A_443] : memref<10x320x32xf32, #tpu.memory_space<vmem>> -> memref<1x320x32xf32, #tpu.memory_space<vmem>>
    %dma_wait3A_445 = tpu.memref_squeeze %dma_wait3A_444 : memref<1x320x32xf32, #tpu.memory_space<vmem>> -> memref<320x32xf32, #tpu.memory_space<vmem>>
    tpu.wait_dma2 semaphore(%arg22 : memref<!tpu.dma_semaphore, #tpu.memory_space<semaphore_mem>>) src(%dma_wait3A_445 : memref<320x32xf32, #tpu.memory_space<vmem>>) dst(%dma_wait3A_441 : memref<320x32xf32, #tpu.memory_space<hbm>>)
    %add3A_446 = arith.constant 24320 : i32
    %add3A_447 = arith.addi %multiple_of3A, %add3A_446 : i32
    %dma_wait3A_448 = arith.constant 6 : i32
    %dma_wait3A_449 = arith.constant 0 : i32
    %dma_wait3A_450 = arith.constant 0 : i32
    %dma_wait3A_451 = tpu.memref_slice %arg6[%dma_wait3A_448, %dma_wait3A_449, %dma_wait3A_450] : memref<10x320x32xf32, #tpu.memory_space<vmem>> -> memref<1x320x32xf32, #tpu.memory_space<vmem>>
    %dma_wait3A_452 = tpu.memref_squeeze %dma_wait3A_451 : memref<1x320x32xf32, #tpu.memory_space<vmem>> -> memref<320x32xf32, #tpu.memory_space<vmem>>
    %dma_wait3A_453 = arith.constant 0 : i32
    %dma_wait3A_454 = tpu.memref_slice %arg4[%add3A_447, %dma_wait3A_453] : memref<819200x32xf32, #tpu.memory_space<hbm>> -> memref<320x32xf32, #tpu.memory_space<hbm>>
    %dma_wait3A_455 = arith.constant 0 : i32
    %dma_wait3A_456 = tpu.memref_slice %arg4[%add3A_447, %dma_wait3A_455] : memref<819200x32xf32, #tpu.memory_space<hbm>> -> memref<320x32xf32, #tpu.memory_space<hbm>>
    %dma_wait3A_457 = arith.constant 0 : i32
    %dma_wait3A_458 = arith.constant 0 : i32
    %dma_wait3A_459 = tpu.memref_slice %arg6[%dma_wait3A_448, %dma_wait3A_457, %dma_wait3A_458] : memref<10x320x32xf32, #tpu.memory_space<vmem>> -> memref<1x320x32xf32, #tpu.memory_space<vmem>>
    %dma_wait3A_460 = tpu.memref_squeeze %dma_wait3A_459 : memref<1x320x32xf32, #tpu.memory_space<vmem>> -> memref<320x32xf32, #tpu.memory_space<vmem>>
    tpu.wait_dma2 semaphore(%arg23 : memref<!tpu.dma_semaphore, #tpu.memory_space<semaphore_mem>>) src(%dma_wait3A_460 : memref<320x32xf32, #tpu.memory_space<vmem>>) dst(%dma_wait3A_456 : memref<320x32xf32, #tpu.memory_space<hbm>>)
    %add3A_461 = arith.constant 24640 : i32
    %add3A_462 = arith.addi %multiple_of3A, %add3A_461 : i32
    %dma_wait3A_463 = arith.constant 7 : i32
    %dma_wait3A_464 = arith.constant 0 : i32
    %dma_wait3A_465 = arith.constant 0 : i32
    %dma_wait3A_466 = tpu.memref_slice %arg6[%dma_wait3A_463, %dma_wait3A_464, %dma_wait3A_465] : memref<10x320x32xf32, #tpu.memory_space<vmem>> -> memref<1x320x32xf32, #tpu.memory_space<vmem>>
    %dma_wait3A_467 = tpu.memref_squeeze %dma_wait3A_466 : memref<1x320x32xf32, #tpu.memory_space<vmem>> -> memref<320x32xf32, #tpu.memory_space<vmem>>
    %dma_wait3A_468 = arith.constant 0 : i32
    %dma_wait3A_469 = tpu.memref_slice %arg4[%add3A_462, %dma_wait3A_468] : memref<819200x32xf32, #tpu.memory_space<hbm>> -> memref<320x32xf32, #tpu.memory_space<hbm>>
    %dma_wait3A_470 = arith.constant 0 : i32
    %dma_wait3A_471 = tpu.memref_slice %arg4[%add3A_462, %dma_wait3A_470] : memref<819200x32xf32, #tpu.memory_space<hbm>> -> memref<320x32xf32, #tpu.memory_space<hbm>>
    %dma_wait3A_472 = arith.constant 0 : i32
    %dma_wait3A_473 = arith.constant 0 : i32
    %dma_wait3A_474 = tpu.memref_slice %arg6[%dma_wait3A_463, %dma_wait3A_472, %dma_wait3A_473] : memref<10x320x32xf32, #tpu.memory_space<vmem>> -> memref<1x320x32xf32, #tpu.memory_space<vmem>>
    %dma_wait3A_475 = tpu.memref_squeeze %dma_wait3A_474 : memref<1x320x32xf32, #tpu.memory_space<vmem>> -> memref<320x32xf32, #tpu.memory_space<vmem>>
    tpu.wait_dma2 semaphore(%arg24 : memref<!tpu.dma_semaphore, #tpu.memory_space<semaphore_mem>>) src(%dma_wait3A_475 : memref<320x32xf32, #tpu.memory_space<vmem>>) dst(%dma_wait3A_471 : memref<320x32xf32, #tpu.memory_space<hbm>>)
    %add3A_476 = arith.constant 24960 : i32
    %add3A_477 = arith.addi %multiple_of3A, %add3A_476 : i32
    %dma_wait3A_478 = arith.constant 8 : i32
    %dma_wait3A_479 = arith.constant 0 : i32
    %dma_wait3A_480 = arith.constant 0 : i32
    %dma_wait3A_481 = tpu.memref_slice %arg6[%dma_wait3A_478, %dma_wait3A_479, %dma_wait3A_480] : memref<10x320x32xf32, #tpu.memory_space<vmem>> -> memref<1x320x32xf32, #tpu.memory_space<vmem>>
    %dma_wait3A_482 = tpu.memref_squeeze %dma_wait3A_481 : memref<1x320x32xf32, #tpu.memory_space<vmem>> -> memref<320x32xf32, #tpu.memory_space<vmem>>
    %dma_wait3A_483 = arith.constant 0 : i32
    %dma_wait3A_484 = tpu.memref_slice %arg4[%add3A_477, %dma_wait3A_483] : memref<819200x32xf32, #tpu.memory_space<hbm>> -> memref<320x32xf32, #tpu.memory_space<hbm>>
    %dma_wait3A_485 = arith.constant 0 : i32
    %dma_wait3A_486 = tpu.memref_slice %arg4[%add3A_477, %dma_wait3A_485] : memref<819200x32xf32, #tpu.memory_space<hbm>> -> memref<320x32xf32, #tpu.memory_space<hbm>>
    %dma_wait3A_487 = arith.constant 0 : i32
    %dma_wait3A_488 = arith.constant 0 : i32
    %dma_wait3A_489 = tpu.memref_slice %arg6[%dma_wait3A_478, %dma_wait3A_487, %dma_wait3A_488] : memref<10x320x32xf32, #tpu.memory_space<vmem>> -> memref<1x320x32xf32, #tpu.memory_space<vmem>>
    %dma_wait3A_490 = tpu.memref_squeeze %dma_wait3A_489 : memref<1x320x32xf32, #tpu.memory_space<vmem>> -> memref<320x32xf32, #tpu.memory_space<vmem>>
    tpu.wait_dma2 semaphore(%arg25 : memref<!tpu.dma_semaphore, #tpu.memory_space<semaphore_mem>>) src(%dma_wait3A_490 : memref<320x32xf32, #tpu.memory_space<vmem>>) dst(%dma_wait3A_486 : memref<320x32xf32, #tpu.memory_space<hbm>>)
    %add3A_491 = arith.constant 25280 : i32
    %add3A_492 = arith.addi %multiple_of3A, %add3A_491 : i32
    %dma_wait3A_493 = arith.constant 9 : i32
    %dma_wait3A_494 = arith.constant 0 : i32
    %dma_wait3A_495 = arith.constant 0 : i32
    %dma_wait3A_496 = tpu.memref_slice %arg6[%dma_wait3A_493, %dma_wait3A_494, %dma_wait3A_495] : memref<10x320x32xf32, #tpu.memory_space<vmem>> -> memref<1x320x32xf32, #tpu.memory_space<vmem>>
    %dma_wait3A_497 = tpu.memref_squeeze %dma_wait3A_496 : memref<1x320x32xf32, #tpu.memory_space<vmem>> -> memref<320x32xf32, #tpu.memory_space<vmem>>
    %dma_wait3A_498 = arith.constant 0 : i32
    %dma_wait3A_499 = tpu.memref_slice %arg4[%add3A_492, %dma_wait3A_498] : memref<819200x32xf32, #tpu.memory_space<hbm>> -> memref<320x32xf32, #tpu.memory_space<hbm>>
    %dma_wait3A_500 = arith.constant 0 : i32
    %dma_wait3A_501 = tpu.memref_slice %arg4[%add3A_492, %dma_wait3A_500] : memref<819200x32xf32, #tpu.memory_space<hbm>> -> memref<320x32xf32, #tpu.memory_space<hbm>>
    %dma_wait3A_502 = arith.constant 0 : i32
    %dma_wait3A_503 = arith.constant 0 : i32
    %dma_wait3A_504 = tpu.memref_slice %arg6[%dma_wait3A_493, %dma_wait3A_502, %dma_wait3A_503] : memref<10x320x32xf32, #tpu.memory_space<vmem>> -> memref<1x320x32xf32, #tpu.memory_space<vmem>>
    %dma_wait3A_505 = tpu.memref_squeeze %dma_wait3A_504 : memref<1x320x32xf32, #tpu.memory_space<vmem>> -> memref<320x32xf32, #tpu.memory_space<vmem>>
    tpu.wait_dma2 semaphore(%arg26 : memref<!tpu.dma_semaphore, #tpu.memory_space<semaphore_mem>>) src(%dma_wait3A_505 : memref<320x32xf32, #tpu.memory_space<vmem>>) dst(%dma_wait3A_501 : memref<320x32xf32, #tpu.memory_space<hbm>>)
    return
  }
}

</mosaic_0001>

<sc_bundles>
// kernel: kernel.3.cloned.1.call-start
scs
__scs_entry_jumppad:
0x0: {  	(pc) =	sbr.rel $0x88, $3  }
0x1: {  	(tag) =	ssettag $0x0;
	lr =	simm.s32 $0x1  }
0x2: {  	[smem:$0x3F9F] =	sst lr;
	_ =	strace $0xD0000000  }
0x3: {  	_ = 	snop  }
0x4: {  	_ = 	snop  }
0x5: {  	_ = 	snop  }
0x6: {  	_ = 	snop  }
0x7: {  	_ = 	snop  }
__scs_overlays_trampoline_lowered:
0x8: {  	[smem:$0x3FAE] =	sst s0  }
0x9: {  	[smem:$0x3FAF] =	sst s1  }
0xa: {  	[smem:$0x3FB0] =	sst s2  }
0xb: {  	[smem:$0x3FB1] =	sst s3  }
0xc: {  	[smem:$0x3FB2] =	sst s4  }
0xd: {  	[smem:$0x3FB3] =	sst s5  }
0xe: {  	[smem:$0x3FB4] =	sst s6  }
0xf: {  	[smem:$0x3FB5] =	sst s7  }
0x10: {  	[smem:$0x3FB6] =	sst s8  }
0x11: {  	[smem:$0x3FB7] =	sst s9;
	s0 =	simm.s32 @!p0 $0x0  }
0x12: {  	s1 =	sld [smem:$0x3F9D];
	s0 =	simm.s32 @p0 $0x1  }
0x13: {  	[smem:$0x3FB8] =	sst s0;
	s0 =	simm.s32 @!p1 $0x0  }
0x14: {  	s2 =	sld [smem:$0x3F9C];
	s0 =	simm.s32 @p1 $0x1  }
0x15: {  	[smem:$0x3FB9] =	sst s0;
	s0 =	simm.s32 @!p2 $0x0  }
0x16: {  	s3 =	sld [smem:$0x3FDB];
	s0 =	simm.s32 @p2 $0x1  }
0x17: {  	s4 =	simm.s32 $0x1BF5;
	[smem:$0x3FBB] =	sst s0  }
0x18: {  	s0 =	sld [smem:$0x3F9E];
	_ =	swait.ge [sflag:s4], $0x0  }
0x19: {  	s7 =	sld [smem:$0x3F9F]  }
0x1a: {  	s8 =	sadd.s32 $0xFFFFE003, lr  }
0x1b: {  	s9 =	sadd.s32 $0xFFFFFEF7, lr;
	s5 =	simm.s32 $0xFFFFFFFF;
	p2 =	slt.u32 s8, $0xFFFFF086  }
0x1c: {  	p1 =	slt.u32 s9, $0xF7A;
	s5 =	simm.s32 @!p2 $0x0  }
0x1d: {  	s5 =	simm.s32 @p1 $0x1;
	p0 =	seq.s32 s7, s2  }
0x1e: {  	s7 =	smul.u32 @!p0 $0xF7A, s2;
	p2 =	seq.s32 @!p0 s5, $0x0  }
0x1f: {  	s9 =	smul.u32 $0xF7A, s1;
	s8 =	simm.s32 @!p0 $0x1BF5;
	p2 =	por !p2, p0  }
0x20: {  	[sflag:s8] =	ssyncset.s32 @!p0 $0xFFFFF086;
	s6 =	sadd.s32 @!p0 s3, s7;
	s7 =	simm.s32 @!p0 $0x108  }
0x21: {  	s3 =	sadd.s32 s3, s9;
	s6 =	sadd.s32 @!p0 $0x88, s6;
	s7 =	simm.s32 @p2 $0x1082  }
0x22: {  	[simem:s7], [sflag:s8] =	dma.local @!p0 [hbm:s6], $0xF7A  }
0x23: {  	s9 =	sor.u32 $0xD0000000, s2;
	s6 =	simm.s32 $0x108;
	_ =	swait.ge @!p0 [sflag:s8], $0x0  }
0x24: {  	s3 =	sadd.s32 $0x88, s3;
	s6 =	simm.s32 @!p1 $0x1082;
	[sflag:s4] =	ssyncset.s32 $0xFFFFF086  }
0x25: {  	[simem:s6], [sflag:s4] =	dma.local [hbm:s3], $0xF7A  }
0x26: {  	[smem:$0x3F9F] =	sst s1;
	(tag) =	ssettag s2;
	_ =	strace s9  }
0x27: {  	s1 =	sld [smem:$0x3FAF]  }
0x28: {  	s2 =	sld [smem:$0x3FB0]  }
0x29: {  	s4 =	sld [smem:$0x3FB2]  }
0x2a: {  	p0 =	seq.s32 s5, $0x0;
	s5 =	sld [smem:$0x3FB3]  }
0x2b: {  	s6 =	sld [smem:$0x3FB4]  }
0x2c: {  	s7 =	sld [smem:$0x3FB5]  }
0x2d: {  	s3 =	simm.s32 $0x108;
	s8 =	sld [smem:$0x3FB6]  }
0x2e: {  	s3 =	simm.s32 @!p0 $0x1082;
	s9 =	sld [smem:$0x3FB7]  }
0x2f: {  	lr =	sadd.s32 s0, s3;
	s0 =	sld [smem:$0x3FAE]  }
0x30: {  	s3 =	sld [smem:$0x3FB1]  }
0x31: {  	[smem:$0x3FBA] =	sst s10  }
0x32: {  	s10 =	sld [smem:$0x3FB8];
	_ =	sdelay $0x3  }
0x33: {  	p0 =	seq.s32 s10, $0x1;
	s10 =	sld [smem:$0x3FBA];
	_ =	sdelay $0x3  }
0x34: {  	[smem:$0x3FBA] =	sst s10  }
0x35: {  	s10 =	sld [smem:$0x3FB9];
	_ =	sdelay $0x3  }
0x36: {  	p1 =	seq.s32 s10, $0x1;
	s10 =	sld [smem:$0x3FBA];
	_ =	sdelay $0x3  }
0x37: {  	[smem:$0x3FBA] =	sst s10  }
0x38: {  	s10 =	sld [smem:$0x3FBB]  }
0x39: {  	_ = 	snop;
	(pc) =	sbr.ind lr, $3  }
0x3a: {  	_ = 	snop  }
0x3b: {  	_ = 	snop  }
0x3c: {  	p2 =	seq.s32 s10, $0x1;
	s10 =	sld [smem:$0x3FBA]  }
0x3d: {  	_ =	shalt  }
0x3e: {  	_ =	shalt  }
0x3f: {  	_ =	shalt  }
0x40: {  	_ =	shalt  }
0x41: {  	_ =	shalt  }
0x42: {  	_ =	shalt  }
0x43: {  	_ =	shalt  }
0x44: {  	_ =	shalt  }
0x45: {  	_ =	shalt  }
0x46: {  	_ =	shalt  }
0x47: {  	_ =	shalt  }
0x48: {  	_ =	shalt  }
0x49: {  	_ =	shalt  }
0x4a: {  	_ =	shalt  }
0x4b: {  	_ =	shalt  }
0x4c: {  	_ =	shalt  }
0x4d: {  	_ =	shalt  }
0x4e: {  	_ =	shalt  }
0x4f: {  	_ =	shalt  }
0x50: {  	_ =	shalt  }
0x51: {  	_ =	shalt  }
0x52: {  	_ =	shalt  }
0x53: {  	_ =	shalt  }
0x54: {  	_ =	shalt  }
0x55: {  	_ =	shalt  }
0x56: {  	_ =	shalt  }
0x57: {  	_ =	shalt  }
0x58: {  	_ =	shalt  }
0x59: {  	_ =	shalt  }
0x5a: {  	_ =	shalt  }
0x5b: {  	_ =	shalt  }
0x5c: {  	_ =	shalt  }
0x5d: {  	_ =	shalt  }
0x5e: {  	_ =	shalt  }
0x5f: {  	_ =	shalt  }
0x60: {  	_ =	shalt  }
0x61: {  	_ =	shalt  }
0x62: {  	_ =	shalt  }
0x63: {  	_ =	shalt  }
0x64: {  	_ =	shalt  }
0x65: {  	_ =	shalt  }
0x66: {  	_ =	shalt  }
0x67: {  	_ =	shalt  }
0x68: {  	_ =	shalt  }
0x69: {  	_ =	shalt  }
0x6a: {  	_ =	shalt  }
0x6b: {  	_ =	shalt  }
0x6c: {  	_ =	shalt  }
0x6d: {  	_ =	shalt  }
0x6e: {  	_ =	shalt  }
0x6f: {  	_ =	shalt  }
0x70: {  	_ =	shalt  }
0x71: {  	_ =	shalt  }
0x72: {  	_ =	shalt  }
0x73: {  	_ =	shalt  }
0x74: {  	_ =	shalt  }
0x75: {  	_ =	shalt  }
0x76: {  	_ =	shalt  }
0x77: {  	_ =	shalt  }
0x78: {  	_ =	shalt  }
0x79: {  	_ =	shalt  }
0x7a: {  	_ =	shalt  }
0x7b: {  	_ =	shalt  }
0x7c: {  	_ =	shalt  }
0x7d: {  	_ =	shalt  }
0x7e: {  	_ =	shalt  }
0x7f: {  	_ =	shalt  }
0x80: {  	_ =	shalt  }
0x81: {  	_ =	shalt  }
0x82: {  	_ =	shalt  }
0x83: {  	_ =	shalt  }
0x84: {  	_ =	shalt  }
0x85: {  	_ =	shalt  }
0x86: {  	_ =	shalt  }
0x87: {  	_ =	shalt  }
.Lfunc_end0:
.L_simem_size_0:
called_computation.2_lowered:
.L_overlay_start_0:
0x88: {  	s2 =	sld [smem:$0x3FD9]  }
0x89: {  	s3 =	sld [smem:$0x3FFE];
	_ =	sdelay $0x1  }
0x8a: {  	s1 =	srdreg.scid  }
0x8b: {  	s0 =	sand.u32 $0x1, s1  }
0x8c: {  	s17 =	sshll.u32 s0, $0xA;
	s2 =	sadd.s32 s3, s2  }
0x8d: {  	s2 =	sadd.s32 s2, s17  }
0x8e: {  	[smem:$0x3FC6] =	sst s2  }
0x8f: {  	_ = 	snop  }
0x90: {  	s2 =	sld [smem:$0x3FD0];
	(tm) =	ssettm $0x1  }
0x91: {  	s18 =	sld [smem:$0x3FFB];
	_ =	sdelay $0x3  }
0x92: {  	_ =	strace s18  }
0x93: {  	s3 =	sld [smem:$0x3FFC];
	_ =	sdelay $0x3  }
0x94: {  	_ =	strace s3  }
0x95: {  	s3 =	sld [smem:$0x3FFD];
	_ =	sdelay $0x3  }
0x96: {  	_ =	strace s3  }
0x97: {  	_ =	strace $0x8FFFFFFF  }
0x98: {  	s19 =	sld [smem:$0x3FDB];
	_ =	sdelay $0x1  }
0x99: {  	s4 =	simm.s32 $_scs_section_size  }
0x9a: {  	s5 =	simm.s32 $_size__tile_overlayer_lowered;
	s6 =	simm.s32 $_tile_overlayer_lowered  }
0x9b: {  	s22 =	simm.s32 $0x1BFF;
	s21 =	sshll.u32 s6, $0x1;
	s3 =	sadd.s32 s4, s19  }
0x9c: {  	s7 =	simm.s32 $0x0;
	s20 =	sshll.u32 s5, $0x1;
	s5 =	sadd.s32 s21, s3  }
0x9d: {  	[timem:s7], [sflag:s22] =	dma.local [hbm:s5], s20  }
0x9e: {  	_ =	swait.ge [sflag:s22], s20  }
0x9f: {  	s4 =	ssub.s32 $0x0, s20;
	[sflag:s22] =	ssyncset.done $0x0  }
0xa0: {  	[sflag:s22] =	ssyncadd.s32 s4;
	_ =	sdelay $0x1  }
0xa1: {  	s23 =	simm.s32 $0x1B8B  }
0xa2: {  	_ =	swait.ge [sflag:s23], $0x1  }
0xa3: {  	[sflag:s23] =	ssyncset.done $0x0  }
0xa4: {  	s25 =	simm.s32 $0x1B8E;
	s24 =	sld [smem:$0x3FFE];
	[sflag:s23] =	ssyncadd.s32 $0xFFFFFFFF  }
0xa5: {  	s26 =	simm.s32 $execute0_lowered;
	[smem:$0x3FD2] =	sst s25  }
0xa6: {  	s5 =	sshll.u32 s26, $0x1;
	_ =	strace $0x80000046;
	[dreg:$0x1] =	wrdreg $0xFFFFFFFF  }
0xa7: {  	s28 =	simm.s32 $_size_execute0_lowered;
	s3 =	sadd.s32 s3, s5;
	[dreg:$0x0] =	wrdreg $0x0  }
0xa8: {  	s5 =	sshll.u32 s28, $0x1;
	[dreg:$0x2] =	wrdreg s3  }
0xa9: {  	[dreg:$0x3] =	wrdreg s5  }
0xaa: {  	[dreg:$0x4] =	wrdreg $0xC0  }
0xab: {  	_ =	task [dreg:s7], $0x5FFFF  }
0xac: {  	[dreg:$0x1] =	wrdreg $0xFFFFFFFF  }
0xad: {  	[dreg:$0x0] =	wrdreg $0x60  }
0xae: {  	[dreg:$0x2] =	wrdreg s24  }
0xaf: {  	[dreg:$0x3] =	wrdreg s2  }
0xb0: {  	[dreg:$0x4] =	wrdreg $0x9  }
0xb1: {  	_ =	task.clear_ibuf [dreg:s7], $0x5FFFF;
	_ =	strace $0x90000046  }
0xb2: {  	s29 =	simm.s32 $0x9;
	_ =	strace $0x80000048  }
0xb3: {  	_ =	swait.ge [sflag:s29], $0x1  }
0xb4: {  	[sflag:s29] =	ssyncadd.s32 $0xFFFFFFFF  }
0xb5: {  	_ =	strace $0x90000048  }
0xb6: {  	_ =	sfence  }
0xb7: {  	s30 =	sld [smem:$0x0];
	_ =	sdelay $0x2  }
0xb8: {  	s31 =	sshll.u32 s1, $0xD;
	s1 =	sshrl.u32 s1, $0x2  }
0xb9: {  	s3 =	sand.u32 $0x4000, s31;
	s1 =	sadd.s32 s1, s30  }
0xba: {  	s0 =	sor.u32 s3, s0;
	s1 =	sshll.u32 s1, $0x11  }
0xbb: {  	s0 =	sor.u32 s1, s0  }
0xbc: {  	s0 =	sadd.s32 $0x8F2B, s0  }
0xbd: {  	[sflag:s0] =	ssyncadd.remote.s32 $0x1  }
0xbe: {  	_ =	sfence.sel $0xFFFF  }
0xbf: {  	[dreg:$0x0] =	wrdreg $0xFFFFFFFF;
	(pc) =	sbr.abs _section_cstart, $3  }
0xc0: {  	[dreg:$0x1] =	wrdreg $0xFFFFFFFF  }
0xc1: {  	_ =	task.clear_ibuf [dreg:s7], $0x2FFFF;
	_ =	strace $0x9FFFFFFF  }
0xc2: {  	(tm) =	ssettm $0x7FFFFFFF  }
0xc3: {  	_ =	shalt  }
tec
execute0_lowered:
.L_overlay_start_1:
0x0: {  	(tag) =	ssettag $0x1  }
0x1: {  	s1 =	srdreg.scid;
	s11 =	stileid.u32  }
0x2: {  	s1 =	sand.u32 $0x1, s1;
	s3 =	sshll.u32 s11, $0x1;
	s7 =	smul.u32 $0xC800, s11  }
0x3: {  	s0 =	rddreg [dreg:$0x0];
	s13 =	smul.u32 $0x32000, s11;
	s3 =	sor.u32 s1, s3  }
0x4: {  	s4 =	rddreg [dreg:$0x1];
	s2 =	simm.s32 $0x0;
	s5 =	smul.u32 $0x6400, s3  }
0x5: {  	[smem:$0x7FF] =	sst s2;
	s30 =	ssub.s32 $0x2, s1;
	s6 =	smul.u32 $0xC8000, s3  }
0x6: {  	s10 =	smul.u32 $0x6400, s1;
	s9 =	sshrl.u32 s30, $0x1;
	s29 =	sshrl.u32 s5, $0x3  }
0x7: {  	s3 =	sadd.s32 $0xF43200, s0;
	s31 =	sshrl.u32 s6, $0x3;
	s8 =	sadd.s32 s29, s0  }
0x8: {  	s0 =	ssub.s32 s30, s9;
	s5 =	sadd.s32 s4, s31;
	s9 =	sadd.s32 $0xE00, s8  }
0x9: {  	_ =	strace $0x80000047;
	s12 =	sadd.s32 $0x15E00, s5;
	[dreg:$0xc] =	wrdreg s9  }
0xa: {  	s10 =	sadd.s32 s10, s7;
	s14 =	sadd.s32 $0x16300, s5;
	[dreg:$0xd] =	wrdreg s12  }
0xb: {  	s6 =	sshll.u32 s10, $0x2;
	s15 =	sadd.s32 $0x16800, s5;
	[dreg:$0xe] =	wrdreg s14  }
0xc: {  	s6 =	sadd.s32 s6, s4;
	s17 =	sadd.s32 $0x16D00, s5;
	[dreg:$0xf] =	wrdreg s15  }
0xd: {  	s1 =	smul.u32 $0x19000, s1;
	s16 =	sadd.s32 $0x2D00, s6;
	[dreg:$0x10] =	wrdreg s17  }
0xe: {  	s4 =	sadd.s32 s13, s4;
	s18 =	sadd.s32 $0x17200, s5;
	[dreg:$0x3] =	wrdreg s16  }
0xf: {  	s1 =	sadd.s32 s1, s4;
	[dreg:$0x11] =	wrdreg s18  }
0x10: {  	s20 =	sadd.s32 $0x17700, s5;
	[dreg:$0x4] =	wrdreg s1  }
0x11: {  	s19 =	sadd.s32 $0x2300, s6;
	[dreg:$0x12] =	wrdreg s20  }
0x12: {  	s22 =	sadd.s32 $0x17C00, s5;
	[dreg:$0x5] =	wrdreg s19  }
0x13: {  	s21 =	sadd.s32 $0x1E00, s6;
	[dreg:$0x13] =	wrdreg s22  }
0x14: {  	s24 =	sadd.s32 $0x18100, s5;
	[dreg:$0x6] =	wrdreg s21  }
0x15: {  	s23 =	sadd.s32 $0x1900, s6;
	[dreg:$0x14] =	wrdreg s24  }
0x16: {  	s26 =	sadd.s32 $0x18600, s5;
	[dreg:$0x7] =	wrdreg s23  }
0x17: {  	s11 =	simm.s32 $0xD;
	s25 =	sadd.s32 $0x1400, s6;
	[dreg:$0x15] =	wrdreg s26  }
0x18: {  	s7 =	simm.s32 $0x9;
	s29 =	sadd.s32 $0x18B00, s5;
	[dreg:$0x8] =	wrdreg s25  }
0x19: {  	s10 =	simm.s32 $0xC;
	s28 =	sadd.s32 $0xF00, s6;
	[dreg:$0x16] =	wrdreg s29  }
0x1a: {  	s13 =	simm.s32 $0xF;
	s0 =	smax.u32 s0, $0x1;
	[dreg:$0x9] =	wrdreg s28  }
0x1b: {  	s30 =	sadd.s32 $0xA00, s6;
	s31 =	sadd.s32 $0x500, s6;
	[dreg:$0x17] =	wrdreg s0  }
0x1c: {  	s5 =	simm.s32 $0x7;
	s6 =	simm.s32 $0x8;
	[dreg:$0xa] =	wrdreg s30  }
0x1d: {  	s8 =	simm.s32 $0xA;
	[dreg:$0xb] =	wrdreg s31;
	s17 =	simm.s32 $0x140  }
0x1e: {  	s9 =	simm.s32 $0xB;
	s12 =	simm.s32 $0xE;
	s14 =	simm.s32 $0x10  }
0x1f: {  	s15 =	simm.s32 $0x11;
	s16 =	simm.s32 $0x12;
	s18 =	simm.s32 $0x13  }
0x20: {  	s19 =	simm.s32 $0x14;
	s0 =	simm.s32 $0x0;
	s22 =	simm.s32 $0x1A400  }
.LBB2_1:
0x21: {  	[dreg:$0x18] =	wrdreg s0  }
0x22: {  	s21 =	rddreg [dreg:$0xc];
	s26 =	simm.s32 $0x15  }
0x23: {  	[tilespmem:s2], [sflag:$0x15] =	stream.linear.gather [hbm4b:s21+s2], $0x6400, $0x38;
	[tilespmem:$0x1F400] =	vst v63  }
0x24: {  	_ =	swait.ge [sflag:s26], $0x6400  }
0x25: {  	[sflag:s26] =	ssyncset.done $0x0  }
0x26: {  	s25 =	simm.s32 $0x6400;
	[sflag:s26] =	ssyncadd.s32 $0xFFFF9C00  }
0x27: {  	[tilespmem:s25], [sflag:$0x1] =	stream.indirect.gather [hbm4b:s3+s17], $0x20, s2, s17, $0xb8;
	[tilespmem:$0x1F400] =	vst v63  }
0x28: {  	s1 =	simm.s32 $0x8C00  }
0x29: {  	[tilespmem:s1], [sflag:$0x2] =	stream.indirect.gather [hbm4b:s3+s17], $0x20, s17, s17, $0xb8;
	[tilespmem:$0x1F400] =	vst v63  }
0x2a: {  	s28 =	simm.s32 $0x280;
	s20 =	simm.s32 $0xB400  }
0x2b: {  	[tilespmem:s20], [sflag:$0x3] =	stream.indirect.gather [hbm4b:s3+s17], $0x20, s28, s17, $0xb8;
	[tilespmem:$0x1F400] =	vst v63  }
0x2c: {  	s29 =	simm.s32 $0x3C0;
	s24 =	simm.s32 $0xDC00  }
0x2d: {  	[tilespmem:s24], [sflag:$0x4] =	stream.indirect.gather [hbm4b:s3+s17], $0x20, s29, s17, $0xb8;
	[tilespmem:$0x1F400] =	vst v63  }
0x2e: {  	s30 =	simm.s32 $0x500;
	s26 =	simm.s32 $0x10400  }
0x2f: {  	[tilespmem:s26], [sflag:$0x5] =	stream.indirect.gather [hbm4b:s3+s17], $0x20, s30, s17, $0xb8;
	[tilespmem:$0x1F400] =	vst v63  }
0x30: {  	s31 =	simm.s32 $0x640;
	s28 =	simm.s32 $0x12C00  }
0x31: {  	[tilespmem:s28], [sflag:$0x6] =	stream.indirect.gather [hbm4b:s3+s17], $0x20, s31, s17, $0xb8;
	[tilespmem:$0x1F400] =	vst v63  }
0x32: {  	s0 =	simm.s32 $0x780;
	s29 =	simm.s32 $0x15400  }
0x33: {  	[tilespmem:s29], [sflag:$0x7] =	stream.indirect.gather [hbm4b:s3+s17], $0x20, s0, s17, $0xb8;
	[tilespmem:$0x1F400] =	vst v63  }
0x34: {  	s4 =	simm.s32 $0x8C0;
	s30 =	simm.s32 $0x17C00  }
0x35: {  	[tilespmem:s30], [sflag:$0x8] =	stream.indirect.gather [hbm4b:s3+s17], $0x20, s4, s17, $0xb8;
	[tilespmem:$0x1F400] =	vst v63  }
0x36: {  	s21 =	simm.s32 $0xA00;
	s31 =	simm.s32 $0x1A400  }
0x37: {  	[tilespmem:s31], [sflag:$0x9] =	stream.indirect.gather [hbm4b:s3+s17], $0x20, s21, s17, $0xb8;
	[tilespmem:$0x1F400] =	vst v63  }
0x38: {  	s23 =	simm.s32 $0xB40;
	s4 =	simm.s32 $0x1CC00;
	s21 =	simm.s32 $0x1  }
0x39: {  	[tilespmem:s4], [sflag:$0xA] =	stream.indirect.gather [hbm4b:s3+s17], $0x20, s23, s17, $0xb8;
	[tilespmem:$0x1F400] =	vst v63  }
0x3a: {  	_ =	swait.ge [sflag:s21], $0x2800  }
0x3b: {  	s23 =	rddreg [dreg:$0x4];
	[sflag:s21] =	ssyncset.done $0x0  }
0x3c: {  	s0 =	simm.s32 $0x2;
	[sflag:s21] =	ssyncadd.s32 $0xFFFFD800;
	s21 =	sadd.s32 $0x0, s23  }
0x3d: {  	[hbm4b:s21+s2] =	stream.linear.scatter [tilespmem:s25], [sflag:$0xB], $0x2800, $0x38;
	[tilespmem:$0x1F400] =	vst v63  }
0x3e: {  	_ =	swait.ge [sflag:s0], $0x2800  }
0x3f: {  	s23 =	rddreg [dreg:$0xb];
	[sflag:s0] =	ssyncset.done $0x0  }
0x40: {  	[sflag:s0] =	ssyncadd.s32 $0xFFFFD800;
	s23 =	sadd.s32 $0x0, s23;
	s0 =	simm.s32 $0x3  }
0x41: {  	[hbm4b:s23+s2] =	stream.linear.scatter [tilespmem:s1], [sflag:$0xC], $0x2800, $0x38;
	[tilespmem:$0x1F400] =	vst v63  }
0x42: {  	_ =	swait.ge [sflag:s0], $0x2800  }
0x43: {  	s23 =	rddreg [dreg:$0xa];
	[sflag:s0] =	ssyncset.done $0x0  }
0x44: {  	[sflag:s0] =	ssyncadd.s32 $0xFFFFD800;
	s23 =	sadd.s32 $0x0, s23;
	s0 =	simm.s32 $0x4  }
0x45: {  	[hbm4b:s23+s2] =	stream.linear.scatter [tilespmem:s20], [sflag:$0xD], $0x2800, $0x38;
	[tilespmem:$0x1F400] =	vst v63  }
0x46: {  	_ =	swait.ge [sflag:s0], $0x2800  }
0x47: {  	s23 =	rddreg [dreg:$0x9];
	[sflag:s0] =	ssyncset.done $0x0  }
0x48: {  	[sflag:s0] =	ssyncadd.s32 $0xFFFFD800;
	s23 =	sadd.s32 $0x0, s23;
	s0 =	simm.s32 $0x5  }
0x49: {  	[hbm4b:s23+s2] =	stream.linear.scatter [tilespmem:s24], [sflag:$0xE], $0x2800, $0x38;
	[tilespmem:$0x1F400] =	vst v63  }
0x4a: {  	_ =	swait.ge [sflag:s0], $0x2800  }
0x4b: {  	s23 =	rddreg [dreg:$0x8];
	[sflag:s0] =	ssyncset.done $0x0  }
0x4c: {  	[sflag:s0] =	ssyncadd.s32 $0xFFFFD800;
	s23 =	sadd.s32 $0x0, s23;
	s0 =	simm.s32 $0x6  }
0x4d: {  	[hbm4b:s23+s2] =	stream.linear.scatter [tilespmem:s26], [sflag:$0xF], $0x2800, $0x38;
	[tilespmem:$0x1F400] =	vst v63  }
0x4e: {  	_ =	swait.ge [sflag:s0], $0x2800  }
0x4f: {  	s23 =	rddreg [dreg:$0x7];
	[sflag:s0] =	ssyncset.done $0x0  }
0x50: {  	[sflag:s0] =	ssyncadd.s32 $0xFFFFD800;
	s23 =	sadd.s32 $0x0, s23  }
0x51: {  	[hbm4b:s23+s2] =	stream.linear.scatter [tilespmem:s28], [sflag:$0x10], $0x2800, $0x38;
	[tilespmem:$0x1F400] =	vst v63  }
0x52: {  	_ =	swait.ge [sflag:s5], $0x2800  }
0x53: {  	s0 =	rddreg [dreg:$0x6];
	[sflag:s5] =	ssyncset.done $0x0  }
0x54: {  	[sflag:s5] =	ssyncadd.s32 $0xFFFFD800;
	s23 =	sadd.s32 $0x0, s0  }
0x55: {  	[hbm4b:s23+s2] =	stream.linear.scatter [tilespmem:s29], [sflag:$0x11], $0x2800, $0x38;
	[tilespmem:$0x1F400] =	vst v63  }
0x56: {  	_ =	swait.ge [sflag:s6], $0x2800  }
0x57: {  	s0 =	rddreg [dreg:$0x5];
	[sflag:s6] =	ssyncset.done $0x0  }
0x58: {  	[sflag:s6] =	ssyncadd.s32 $0xFFFFD800;
	s23 =	sadd.s32 $0x0, s0  }
0x59: {  	[hbm4b:s23+s2] =	stream.linear.scatter [tilespmem:s30], [sflag:$0x12], $0x2800, $0x38;
	[tilespmem:$0x1F400] =	vst v63  }
0x5a: {  	_ =	swait.ge [sflag:s7], $0x2800  }
0x5b: {  	[sflag:s7] =	ssyncset.done $0x0  }
0x5c: {  	s21 =	sadd.s32 $0x2800, s21;
	[sflag:s7] =	ssyncadd.s32 $0xFFFFD800  }
0x5d: {  	[hbm4b:s21+s2] =	stream.linear.scatter [tilespmem:s31], [sflag:$0x13], $0x2800, $0x38;
	[tilespmem:$0x1F400] =	vst v63  }
0x5e: {  	_ =	swait.ge [sflag:s8], $0x2800  }
0x5f: {  	s0 =	rddreg [dreg:$0x3];
	[sflag:s8] =	ssyncset.done $0x0  }
0x60: {  	[sflag:s8] =	ssyncadd.s32 $0xFFFFD800;
	s21 =	sadd.s32 $0x0, s0  }
0x61: {  	[hbm4b:s21+s2] =	stream.linear.scatter [tilespmem:s4], [sflag:$0x14], $0x2800, $0x38;
	[tilespmem:$0x1F400] =	vst v63  }
0x62: {  	_ =	swait.ge [sflag:s9], $0x2800  }
0x63: {  	[sflag:s9] =	ssyncset.done $0x0  }
0x64: {  	s23 =	simm.s32 $0xC80;
	[sflag:s9] =	ssyncadd.s32 $0xFFFFD800  }
0x65: {  	[tilespmem:s25], [sflag:$0x1] =	stream.indirect.gather [hbm4b:s3+s17], $0x20, s23, s17, $0xb8;
	[tilespmem:$0x1F400] =	vst v63  }
0x66: {  	_ =	swait.ge [sflag:s10], $0x2800  }
0x67: {  	[sflag:s10] =	ssyncset.done $0x0  }
0x68: {  	s0 =	simm.s32 $0xDC0;
	[sflag:s10] =	ssyncadd.s32 $0xFFFFD800  }
0x69: {  	[tilespmem:s1], [sflag:$0x2] =	stream.indirect.gather [hbm4b:s3+s17], $0x20, s0, s17, $0xb8;
	[tilespmem:$0x1F400] =	vst v63  }
0x6a: {  	_ =	swait.ge [sflag:s11], $0x2800  }
0x6b: {  	[sflag:s11] =	ssyncset.done $0x0  }
0x6c: {  	s4 =	simm.s32 $0xF00;
	[sflag:s11] =	ssyncadd.s32 $0xFFFFD800  }
0x6d: {  	[tilespmem:s20], [sflag:$0x3] =	stream.indirect.gather [hbm4b:s3+s17], $0x20, s4, s17, $0xb8;
	[tilespmem:$0x1F400] =	vst v63  }
0x6e: {  	_ =	swait.ge [sflag:s12], $0x2800  }
0x6f: {  	[sflag:s12] =	ssyncset.done $0x0  }
0x70: {  	s23 =	simm.s32 $0x1040;
	[sflag:s12] =	ssyncadd.s32 $0xFFFFD800  }
0x71: {  	[tilespmem:s24], [sflag:$0x4] =	stream.indirect.gather [hbm4b:s3+s17], $0x20, s23, s17, $0xb8;
	[tilespmem:$0x1F400] =	vst v63  }
0x72: {  	_ =	swait.ge [sflag:s13], $0x2800  }
0x73: {  	[sflag:s13] =	ssyncset.done $0x0  }
0x74: {  	s25 =	simm.s32 $0x1180;
	[sflag:s13] =	ssyncadd.s32 $0xFFFFD800  }
0x75: {  	[tilespmem:s26], [sflag:$0x5] =	stream.indirect.gather [hbm4b:s3+s17], $0x20, s25, s17, $0xb8;
	[tilespmem:$0x1F400] =	vst v63  }
0x76: {  	_ =	swait.ge [sflag:s14], $0x2800  }
0x77: {  	[sflag:s14] =	ssyncset.done $0x0  }
0x78: {  	s26 =	simm.s32 $0x12C0;
	[sflag:s14] =	ssyncadd.s32 $0xFFFFD800  }
0x79: {  	[tilespmem:s28], [sflag:$0x6] =	stream.indirect.gather [hbm4b:s3+s17], $0x20, s26, s17, $0xb8;
	[tilespmem:$0x1F400] =	vst v63  }
0x7a: {  	_ =	swait.ge [sflag:s15], $0x2800  }
0x7b: {  	[sflag:s15] =	ssyncset.done $0x0  }
0x7c: {  	s28 =	simm.s32 $0x1400;
	[sflag:s15] =	ssyncadd.s32 $0xFFFFD800  }
0x7d: {  	[tilespmem:s29], [sflag:$0x7] =	stream.indirect.gather [hbm4b:s3+s17], $0x20, s28, s17, $0xb8;
	[tilespmem:$0x1F400] =	vst v63  }
0x7e: {  	_ =	swait.ge [sflag:s16], $0x2800  }
0x7f: {  	[sflag:s16] =	ssyncset.done $0x0  }
0x80: {  	s29 =	simm.s32 $0x1540;
	[sflag:s16] =	ssyncadd.s32 $0xFFFFD800  }
0x81: {  	[tilespmem:s30], [sflag:$0x8] =	stream.indirect.gather [hbm4b:s3+s17], $0x20, s29, s17, $0xb8;
	[tilespmem:$0x1F400] =	vst v63  }
0x82: {  	_ =	swait.ge [sflag:s18], $0x2800  }
0x83: {  	[sflag:s18] =	ssyncset.done $0x0  }
0x84: {  	s30 =	simm.s32 $0x1680;
	[sflag:s18] =	ssyncadd.s32 $0xFFFFD800  }
0x85: {  	[tilespmem:s31], [sflag:$0x9] =	stream.indirect.gather [hbm4b:s3+s17], $0x20, s30, s17, $0xb8;
	[tilespmem:$0x1F400] =	vst v63  }
0x86: {  	_ =	swait.ge [sflag:s19], $0x2800  }
0x87: {  	[sflag:s19] =	ssyncset.done $0x0  }
0x88: {  	s21 =	simm.s32 $0x3200;
	s23 =	simm.s32 $0x17C0;
	[sflag:s19] =	ssyncadd.s32 $0xFFFFD800  }
.LBB2_2:
0x89: {  	s4 =	simm.s32 $0x1CC00;
	s0 =	simm.s32 $0x1  }
0x8a: {  	[tilespmem:s4], [sflag:$0xA] =	stream.indirect.gather [hbm4b:s3+s17], $0x20, s23, s17, $0xb8;
	[tilespmem:$0x1F400] =	vst v63  }
0x8b: {  	s30 =	simm.s32 $0x6400;
	_ =	swait.ge [sflag:s0], $0x2800  }
0x8c: {  	s23 =	smov.u32 s21;
	s25 =	rddreg [dreg:$0x4];
	[sflag:s0] =	ssyncset.done $0x0  }
0x8d: {  	s1 =	simm.s32 $0x2;
	[sflag:s0] =	ssyncadd.s32 $0xFFFFD800;
	s25 =	sadd.s32 s23, s25  }
0x8e: {  	[hbm4b:s25+s2] =	stream.linear.scatter [tilespmem:s30], [sflag:$0xB], $0x2800, $0x38;
	[tilespmem:$0x1F400] =	vst v63  }
0x8f: {  	_ =	swait.ge [sflag:s1], $0x2800  }
0x90: {  	s20 =	simm.s32 $0x3;
	s28 =	rddreg [dreg:$0xb];
	[sflag:s1] =	ssyncset.done $0x0  }
0x91: {  	[sflag:s1] =	ssyncadd.s32 $0xFFFFD800;
	s28 =	sadd.s32 s23, s28;
	s1 =	simm.s32 $0x8C00  }
0x92: {  	[hbm4b:s28+s2] =	stream.linear.scatter [tilespmem:s1], [sflag:$0xC], $0x2800, $0x38;
	[tilespmem:$0x1F400] =	vst v63  }
0x93: {  	_ =	swait.ge [sflag:s20], $0x2800  }
0x94: {  	s24 =	simm.s32 $0x4;
	s28 =	rddreg [dreg:$0xa];
	[sflag:s20] =	ssyncset.done $0x0  }
0x95: {  	[sflag:s20] =	ssyncadd.s32 $0xFFFFD800;
	s28 =	sadd.s32 s23, s28;
	s20 =	simm.s32 $0xB400  }
0x96: {  	[hbm4b:s28+s2] =	stream.linear.scatter [tilespmem:s20], [sflag:$0xD], $0x2800, $0x38;
	[tilespmem:$0x1F400] =	vst v63  }
0x97: {  	_ =	swait.ge [sflag:s24], $0x2800  }
0x98: {  	s26 =	simm.s32 $0x5;
	s28 =	rddreg [dreg:$0x9];
	[sflag:s24] =	ssyncset.done $0x0  }
0x99: {  	[sflag:s24] =	ssyncadd.s32 $0xFFFFD800;
	s28 =	sadd.s32 s23, s28;
	s24 =	simm.s32 $0xDC00  }
0x9a: {  	[hbm4b:s28+s2] =	stream.linear.scatter [tilespmem:s24], [sflag:$0xE], $0x2800, $0x38;
	[tilespmem:$0x1F400] =	vst v63  }
0x9b: {  	_ =	swait.ge [sflag:s26], $0x2800  }
0x9c: {  	s0 =	simm.s32 $0x6;
	s28 =	rddreg [dreg:$0x8];
	[sflag:s26] =	ssyncset.done $0x0  }
0x9d: {  	[sflag:s26] =	ssyncadd.s32 $0xFFFFD800;
	s28 =	sadd.s32 s23, s28;
	s26 =	simm.s32 $0x10400  }
0x9e: {  	[hbm4b:s28+s2] =	stream.linear.scatter [tilespmem:s26], [sflag:$0xF], $0x2800, $0x38;
	[tilespmem:$0x1F400] =	vst v63  }
0x9f: {  	_ =	swait.ge [sflag:s0], $0x2800  }
0xa0: {  	s28 =	rddreg [dreg:$0x7];
	[sflag:s0] =	ssyncset.done $0x0  }
0xa1: {  	s29 =	simm.s32 $0x12C00;
	[sflag:s0] =	ssyncadd.s32 $0xFFFFD800;
	s28 =	sadd.s32 s23, s28  }
0xa2: {  	[hbm4b:s28+s2] =	stream.linear.scatter [tilespmem:s29], [sflag:$0x10], $0x2800, $0x38;
	[tilespmem:$0x1F400] =	vst v63  }
0xa3: {  	_ =	swait.ge [sflag:s5], $0x2800  }
0xa4: {  	s28 =	rddreg [dreg:$0x6];
	[sflag:s5] =	ssyncset.done $0x0  }
0xa5: {  	s31 =	simm.s32 $0x15400;
	[sflag:s5] =	ssyncadd.s32 $0xFFFFD800;
	s28 =	sadd.s32 s23, s28  }
0xa6: {  	[hbm4b:s28+s2] =	stream.linear.scatter [tilespmem:s31], [sflag:$0x11], $0x2800, $0x38;
	[tilespmem:$0x1F400] =	vst v63  }
0xa7: {  	_ =	swait.ge [sflag:s6], $0x2800  }
0xa8: {  	s28 =	rddreg [dreg:$0x5];
	[sflag:s6] =	ssyncset.done $0x0  }
0xa9: {  	s0 =	simm.s32 $0x17C00;
	[sflag:s6] =	ssyncadd.s32 $0xFFFFD800;
	s28 =	sadd.s32 s23, s28  }
0xaa: {  	[hbm4b:s28+s2] =	stream.linear.scatter [tilespmem:s0], [sflag:$0x12], $0x2800, $0x38;
	[tilespmem:$0x1F400] =	vst v63  }
0xab: {  	_ =	swait.ge [sflag:s7], $0x2800  }
0xac: {  	[sflag:s7] =	ssyncset.done $0x0  }
0xad: {  	s25 =	sadd.s32 $0x2800, s25;
	[sflag:s7] =	ssyncadd.s32 $0xFFFFD800  }
0xae: {  	[hbm4b:s25+s2] =	stream.linear.scatter [tilespmem:s22], [sflag:$0x13], $0x2800, $0x38;
	[tilespmem:$0x1F400] =	vst v63  }
0xaf: {  	_ =	swait.ge [sflag:s8], $0x2800  }
0xb0: {  	s25 =	rddreg [dreg:$0x3];
	[sflag:s8] =	ssyncset.done $0x0  }
0xb1: {  	[sflag:s8] =	ssyncadd.s32 $0xFFFFD800;
	s25 =	sadd.s32 s23, s25  }
0xb2: {  	[hbm4b:s25+s2] =	stream.linear.scatter [tilespmem:s4], [sflag:$0x14], $0x2800, $0x38;
	[tilespmem:$0x1F400] =	vst v63  }
0xb3: {  	_ =	swait.ge [sflag:s9], $0x2800  }
0xb4: {  	s23 =	sshra.s32 s23, $0x2;
	[sflag:s9] =	ssyncset.done $0x0  }
0xb5: {  	s4 =	sadd.s32 $0xC80, s23;
	[sflag:s9] =	ssyncadd.s32 $0xFFFFD800  }
0xb6: {  	[tilespmem:s30], [sflag:$0x1] =	stream.indirect.gather [hbm4b:s3+s17], $0x20, s4, s17, $0xb8;
	[tilespmem:$0x1F400] =	vst v63  }
0xb7: {  	_ =	swait.ge [sflag:s10], $0x2800  }
0xb8: {  	[sflag:s10] =	ssyncset.done $0x0  }
0xb9: {  	s4 =	sadd.s32 $0xDC0, s23;
	[sflag:s10] =	ssyncadd.s32 $0xFFFFD800  }
0xba: {  	[tilespmem:s1], [sflag:$0x2] =	stream.indirect.gather [hbm4b:s3+s17], $0x20, s4, s17, $0xb8;
	[tilespmem:$0x1F400] =	vst v63  }
0xbb: {  	_ =	swait.ge [sflag:s11], $0x2800  }
0xbc: {  	[sflag:s11] =	ssyncset.done $0x0  }
0xbd: {  	s4 =	sadd.s32 $0xF00, s23;
	[sflag:s11] =	ssyncadd.s32 $0xFFFFD800  }
0xbe: {  	[tilespmem:s20], [sflag:$0x3] =	stream.indirect.gather [hbm4b:s3+s17], $0x20, s4, s17, $0xb8;
	[tilespmem:$0x1F400] =	vst v63  }
0xbf: {  	_ =	swait.ge [sflag:s12], $0x2800  }
0xc0: {  	[sflag:s12] =	ssyncset.done $0x0  }
0xc1: {  	s4 =	sadd.s32 $0x1040, s23;
	[sflag:s12] =	ssyncadd.s32 $0xFFFFD800  }
0xc2: {  	[tilespmem:s24], [sflag:$0x4] =	stream.indirect.gather [hbm4b:s3+s17], $0x20, s4, s17, $0xb8;
	[tilespmem:$0x1F400] =	vst v63  }
0xc3: {  	_ =	swait.ge [sflag:s13], $0x2800  }
0xc4: {  	[sflag:s13] =	ssyncset.done $0x0  }
0xc5: {  	s4 =	sadd.s32 $0x1180, s23;
	[sflag:s13] =	ssyncadd.s32 $0xFFFFD800  }
0xc6: {  	[tilespmem:s26], [sflag:$0x5] =	stream.indirect.gather [hbm4b:s3+s17], $0x20, s4, s17, $0xb8;
	[tilespmem:$0x1F400] =	vst v63  }
0xc7: {  	_ =	swait.ge [sflag:s14], $0x2800  }
0xc8: {  	[sflag:s14] =	ssyncset.done $0x0  }
0xc9: {  	s4 =	sadd.s32 $0x12C0, s23;
	[sflag:s14] =	ssyncadd.s32 $0xFFFFD800  }
0xca: {  	[tilespmem:s29], [sflag:$0x6] =	stream.indirect.gather [hbm4b:s3+s17], $0x20, s4, s17, $0xb8;
	[tilespmem:$0x1F400] =	vst v63  }
0xcb: {  	_ =	swait.ge [sflag:s15], $0x2800  }
0xcc: {  	[sflag:s15] =	ssyncset.done $0x0  }
0xcd: {  	s4 =	sadd.s32 $0x1400, s23;
	[sflag:s15] =	ssyncadd.s32 $0xFFFFD800  }
0xce: {  	[tilespmem:s31], [sflag:$0x7] =	stream.indirect.gather [hbm4b:s3+s17], $0x20, s4, s17, $0xb8;
	[tilespmem:$0x1F400] =	vst v63  }
0xcf: {  	_ =	swait.ge [sflag:s16], $0x2800  }
0xd0: {  	p0 =	sne.s32 s21, $0x12C00;
	[sflag:s16] =	ssyncset.done $0x0  }
0xd1: {  	s21 =	sadd.s32 $0x3200, s21;
	s4 =	sadd.s32 $0x1540, s23;
	[sflag:s16] =	ssyncadd.s32 $0xFFFFD800  }
0xd2: {  	[tilespmem:s0], [sflag:$0x8] =	stream.indirect.gather [hbm4b:s3+s17], $0x20, s4, s17, $0xb8;
	[tilespmem:$0x1F400] =	vst v63  }
0xd3: {  	s28 =	simm.s32 $0x6400;
	s30 =	simm.s32 $0x8C00;
	_ =	swait.ge [sflag:s18], $0x2800  }
0xd4: {  	s1 =	simm.s32 $0xB400;
	s20 =	simm.s32 $0xDC00;
	[sflag:s18] =	ssyncset.done $0x0  }
.Ltmp0:
0xd5: {  	s4 =	sadd.s32 $0x1680, s23;
	[sflag:s18] =	ssyncadd.s32 $0xFFFFD800;
	(pc) =	sbr.rel @p0 .LBB2_2-.Ltmp0, $4  }
0xd6: {  	[tilespmem:s22], [sflag:$0x9] =	stream.indirect.gather [hbm4b:s3+s17], $0x20, s4, s17, $0xb8;
	[tilespmem:$0x1F400] =	vst v63  }
0xd7: {  	s24 =	simm.s32 $0x10400;
	s26 =	simm.s32 $0x12C00;
	_ =	swait.ge [sflag:s19], $0x2800  }
0xd8: {  	s29 =	simm.s32 $0x15400;
	s31 =	simm.s32 $0x17C00;
	[sflag:s19] =	ssyncset.done $0x0  }
0xd9: {  	s0 =	simm.s32 $0x1A400;
	s23 =	sadd.s32 $0x17C0, s23;
	[sflag:s19] =	ssyncadd.s32 $0xFFFFD800  }
0xda: {  	s4 =	simm.s32 $0x1CC00;
	s21 =	simm.s32 $0x1  }
0xdb: {  	[tilespmem:s4], [sflag:$0xA] =	stream.indirect.gather [hbm4b:s3+s17], $0x20, s23, s17, $0xb8;
	[tilespmem:$0x1F400] =	vst v63  }
0xdc: {  	_ =	swait.ge [sflag:s21], $0x2800  }
0xdd: {  	[sflag:s21] =	ssyncset.done $0x0  }
0xde: {  	s25 =	simm.s32 $0x2;
	s23 =	rddreg [dreg:$0xd];
	[sflag:s21] =	ssyncadd.s32 $0xFFFFD800  }
0xdf: {  	[hbm4b:s23+s2] =	stream.linear.scatter [tilespmem:s28], [sflag:$0xB], $0x2800, $0x38;
	[tilespmem:$0x1F400] =	vst v63  }
0xe0: {  	_ =	swait.ge [sflag:s25], $0x2800  }
0xe1: {  	[sflag:s25] =	ssyncset.done $0x0  }
0xe2: {  	s28 =	rddreg [dreg:$0xe];
	[sflag:s25] =	ssyncadd.s32 $0xFFFFD800  }
0xe3: {  	[hbm4b:s28+s2] =	stream.linear.scatter [tilespmem:s30], [sflag:$0xC], $0x2800, $0x38;
	[tilespmem:$0x1F400] =	vst v63  }
0xe4: {  	s30 =	simm.s32 $0x3  }
0xe5: {  	_ =	swait.ge [sflag:s30], $0x2800  }
0xe6: {  	[sflag:s30] =	ssyncset.done $0x0  }
0xe7: {  	s25 =	simm.s32 $0x4;
	s23 =	rddreg [dreg:$0xf];
	[sflag:s30] =	ssyncadd.s32 $0xFFFFD800  }
0xe8: {  	[hbm4b:s23+s2] =	stream.linear.scatter [tilespmem:s1], [sflag:$0xD], $0x2800, $0x38;
	[tilespmem:$0x1F400] =	vst v63  }
0xe9: {  	_ =	swait.ge [sflag:s25], $0x2800  }
0xea: {  	[sflag:s25] =	ssyncset.done $0x0  }
0xeb: {  	s30 =	simm.s32 $0x5;
	s28 =	rddreg [dreg:$0x10];
	[sflag:s25] =	ssyncadd.s32 $0xFFFFD800  }
0xec: {  	[hbm4b:s28+s2] =	stream.linear.scatter [tilespmem:s20], [sflag:$0xE], $0x2800, $0x38;
	[tilespmem:$0x1F400] =	vst v63  }
0xed: {  	_ =	swait.ge [sflag:s30], $0x2800  }
0xee: {  	[sflag:s30] =	ssyncset.done $0x0  }
0xef: {  	s23 =	simm.s32 $0x6;
	s20 =	rddreg [dreg:$0x11];
	[sflag:s30] =	ssyncadd.s32 $0xFFFFD800  }
0xf0: {  	[hbm4b:s20+s2] =	stream.linear.scatter [tilespmem:s24], [sflag:$0xF], $0x2800, $0x38;
	[tilespmem:$0x1F400] =	vst v63  }
0xf1: {  	_ =	swait.ge [sflag:s23], $0x2800  }
0xf2: {  	[sflag:s23] =	ssyncset.done $0x0  }
0xf3: {  	s24 =	rddreg [dreg:$0x12];
	[sflag:s23] =	ssyncadd.s32 $0xFFFFD800  }
0xf4: {  	[hbm4b:s24+s2] =	stream.linear.scatter [tilespmem:s26], [sflag:$0x10], $0x2800, $0x38;
	[tilespmem:$0x1F400] =	vst v63  }
0xf5: {  	_ =	swait.ge [sflag:s5], $0x2800  }
0xf6: {  	[sflag:s5] =	ssyncset.done $0x0  }
0xf7: {  	s25 =	rddreg [dreg:$0x13];
	[sflag:s5] =	ssyncadd.s32 $0xFFFFD800  }
0xf8: {  	[hbm4b:s25+s2] =	stream.linear.scatter [tilespmem:s29], [sflag:$0x11], $0x2800, $0x38;
	[tilespmem:$0x1F400] =	vst v63  }
0xf9: {  	_ =	swait.ge [sflag:s6], $0x2800  }
0xfa: {  	[sflag:s6] =	ssyncset.done $0x0  }
0xfb: {  	s26 =	rddreg [dreg:$0x14];
	[sflag:s6] =	ssyncadd.s32 $0xFFFFD800  }
0xfc: {  	[hbm4b:s26+s2] =	stream.linear.scatter [tilespmem:s31], [sflag:$0x12], $0x2800, $0x38;
	[tilespmem:$0x1F400] =	vst v63  }
0xfd: {  	_ =	swait.ge [sflag:s7], $0x2800  }
0xfe: {  	[sflag:s7] =	ssyncset.done $0x0  }
0xff: {  	s28 =	rddreg [dreg:$0x15];
	[sflag:s7] =	ssyncadd.s32 $0xFFFFD800  }
0x100: {  	[hbm4b:s28+s2] =	stream.linear.scatter [tilespmem:s0], [sflag:$0x13], $0x2800, $0x38;
	[tilespmem:$0x1F400] =	vst v63  }
0x101: {  	_ =	swait.ge [sflag:s8], $0x2800  }
0x102: {  	[sflag:s8] =	ssyncset.done $0x0  }
0x103: {  	s29 =	rddreg [dreg:$0x16];
	[sflag:s8] =	ssyncadd.s32 $0xFFFFD800  }
0x104: {  	[hbm4b:s29+s2] =	stream.linear.scatter [tilespmem:s4], [sflag:$0x14], $0x2800, $0x38;
	[tilespmem:$0x1F400] =	vst v63  }
0x105: {  	_ =	swait.ge [sflag:s9], $0x2800  }
0x106: {  	[sflag:s9] =	ssyncset.done $0x0  }
0x107: {  	[sflag:s9] =	ssyncadd.s32 $0xFFFFD800  }
0x108: {  	_ =	swait.ge [sflag:s10], $0x2800  }
0x109: {  	[sflag:s10] =	ssyncset.done $0x0  }
0x10a: {  	[sflag:s10] =	ssyncadd.s32 $0xFFFFD800  }
0x10b: {  	_ =	swait.ge [sflag:s11], $0x2800  }
0x10c: {  	[sflag:s11] =	ssyncset.done $0x0  }
0x10d: {  	[sflag:s11] =	ssyncadd.s32 $0xFFFFD800  }
0x10e: {  	_ =	swait.ge [sflag:s12], $0x2800  }
0x10f: {  	[sflag:s12] =	ssyncset.done $0x0  }
0x110: {  	[sflag:s12] =	ssyncadd.s32 $0xFFFFD800  }
0x111: {  	_ =	swait.ge [sflag:s13], $0x2800  }
0x112: {  	[sflag:s13] =	ssyncset.done $0x0  }
0x113: {  	[sflag:s13] =	ssyncadd.s32 $0xFFFFD800  }
0x114: {  	_ =	swait.ge [sflag:s14], $0x2800  }
0x115: {  	[sflag:s14] =	ssyncset.done $0x0  }
0x116: {  	[sflag:s14] =	ssyncadd.s32 $0xFFFFD800  }
0x117: {  	_ =	swait.ge [sflag:s15], $0x2800  }
0x118: {  	[sflag:s15] =	ssyncset.done $0x0  }
0x119: {  	[sflag:s15] =	ssyncadd.s32 $0xFFFFD800  }
0x11a: {  	_ =	swait.ge [sflag:s16], $0x2800  }
0x11b: {  	[sflag:s16] =	ssyncset.done $0x0  }
0x11c: {  	[sflag:s16] =	ssyncadd.s32 $0xFFFFD800  }
0x11d: {  	_ =	swait.ge [sflag:s18], $0x2800  }
0x11e: {  	[sflag:s18] =	ssyncset.done $0x0  }
0x11f: {  	[sflag:s18] =	ssyncadd.s32 $0xFFFFD800  }
0x120: {  	_ =	swait.ge [sflag:s19], $0x2800  }
0x121: {  	s30 =	rddreg [dreg:$0x18]  }
0x122: {  	s31 =	rddreg [dreg:$0x17];
	s0 =	sadd.s32 $0x1, s30  }
0x123: {  	p0 =	sne.s32 s0, s31  }
.Ltmp1:
0x124: {  	_ = 	snop;
	(pc) =	sbr.rel @p0 .LBB2_1-.Ltmp1, $3  }
0x125: {  	_ =	sdelay $0x1  }
0x126: {  	[sflag:s19] =	ssyncset.done $0x0  }
0x127: {  	[sflag:s19] =	ssyncadd.s32 $0xFFFFD800  }
0x128: {  	_ =	sfence.sel $0x180000  }
0x129: {  	[bflag:$0x0] =	sbarrier.arrive $0xFFFF  }
0x12a: {  	_ =	strace $0x90000047  }
0x12b: {  	s0 =	stileid.u32;
	[bflag:$0x2] =	sbarrier.arrive $0xFFFF  }
0x12c: {  	p0 =	sne.s32 s0, $0x0;
	s0 =	rddreg [dreg:$0x2]  }
0x12d: {  	s0 =	sadd.s32 @!p0 $0x100000, s0  }
0x12e: {  	[sflag:s0] =	ssyncadd.tile.s32 @!p0 $0x1;
	_ =	shalt  }
.Lfunc_end2:
_tile_overlayer_lowered:
.L_overlay_start_2:
0x12f: {  	(tag) =	ssettag $0x2  }
0x130: {  	s0 =	rddreg [dreg:$0x0];
	s2 =	stileid.u32  }
0x131: {  	s1 =	rddreg [dreg:$0x1];
	p0 =	sne.s32 s2, $0x0  }
0x132: {  	s3 =	rddreg [dreg:$0x2];
	[bflag:$0x3] =	sbarrier.arrive $0xFFFF;
	s2 =	simm.s32 @!p0 $0x1C15  }
0x133: {  	[timem:s3], [sflag:s2] =	dma.local @!p0 [hbm:s0], s1  }
0x134: {  	s0 =	simm.s32 @!p0 $0x15  }
0x135: {  	_ =	swait.ge @!p0 [sflag:s0], s1  }
0x136: {  	s1 =	ssub.s32 @!p0 $0x0, s1;
	[sflag:s0] =	ssyncset.done @!p0 $0x0  }
0x137: {  	[sflag:s0] =	ssyncadd.s32 @!p0 s1  }
0x138: {  	[bflag:$0x3] =	sbarrier.arrive $0xFFFF  }
0x139: {  	_ =	shalt  }

// kernel: sparse-core-data-format-call.1.cloned.1.call-start
scs
called_computation.1_lowered:
.L_overlay_start_0:
0x0: {  	s2 =	sld [smem:$0x3FD9]  }
0x1: {  	s3 =	sld [smem:$0x3FFE];
	_ =	sdelay $0x1  }
0x2: {  	s1 =	srdreg.scid  }
0x3: {  	s0 =	sand.u32 $0x1, s1  }
0x4: {  	s18 =	sshll.u32 s0, $0xA;
	s2 =	sadd.s32 s3, s2  }
0x5: {  	s2 =	sadd.s32 s2, s18  }
0x6: {  	[smem:$0x3FC6] =	sst s2  }
0x7: {  	_ = 	snop  }
0x8: {  	s2 =	sld [smem:$0x3FD0];
	(tm) =	ssettm $0x1  }
0x9: {  	s19 =	sld [smem:$0x3FFB];
	_ =	sdelay $0x3  }
0xa: {  	_ =	strace s19  }
0xb: {  	s3 =	sld [smem:$0x3FFC];
	_ =	sdelay $0x3  }
0xc: {  	_ =	strace s3  }
0xd: {  	s3 =	sld [smem:$0x3FFD];
	_ =	sdelay $0x3  }
0xe: {  	_ =	strace s3  }
0xf: {  	_ =	strace $0x8FFFFFFF  }
0x10: {  	s20 =	sld [smem:$0x3FDB];
	_ =	sdelay $0x1  }
0x11: {  	s4 =	simm.s32 $_scs_section_size  }
0x12: {  	s5 =	simm.s32 $_size__tile_overlayer_lowered;
	s6 =	simm.s32 $_tile_overlayer_lowered  }
0x13: {  	s23 =	simm.s32 $0x1BFF;
	s22 =	sshll.u32 s6, $0x1;
	s3 =	sadd.s32 s4, s20  }
0x14: {  	s7 =	simm.s32 $0x0;
	s21 =	sshll.u32 s5, $0x1;
	s5 =	sadd.s32 s22, s3  }
0x15: {  	[timem:s7], [sflag:s23] =	dma.local [hbm:s5], s21  }
0x16: {  	_ =	swait.ge [sflag:s23], s21  }
0x17: {  	s4 =	ssub.s32 $0x0, s21;
	[sflag:s23] =	ssyncset.done $0x0  }
0x18: {  	[sflag:s23] =	ssyncadd.s32 s4;
	_ =	sdelay $0x1  }
0x19: {  	s24 =	simm.s32 $0x1B8B  }
0x1a: {  	_ =	swait.ge [sflag:s24], $0x1  }
0x1b: {  	[sflag:s24] =	ssyncset.done $0x0  }
0x1c: {  	s26 =	simm.s32 $0x1B8E;
	s25 =	sld [smem:$0x3FFE];
	[sflag:s24] =	ssyncadd.s32 $0xFFFFFFFF  }
0x1d: {  	s27 =	simm.s32 $execute0_lowered;
	[smem:$0x3FD2] =	sst s26  }
0x1e: {  	s5 =	sshll.u32 s27, $0x1;
	_ =	strace $0x80000049;
	[dreg:$0x1] =	wrdreg $0xFFFFFFFF  }
0x1f: {  	s28 =	simm.s32 $_size_execute0_lowered;
	s3 =	sadd.s32 s3, s5;
	[dreg:$0x0] =	wrdreg $0x0  }
0x20: {  	s5 =	sshll.u32 s28, $0x1;
	[dreg:$0x2] =	wrdreg s3  }
0x21: {  	[dreg:$0x3] =	wrdreg s5  }
0x22: {  	[dreg:$0x4] =	wrdreg $0xC0  }
0x23: {  	_ =	task [dreg:s7], $0x5FFFF  }
0x24: {  	[dreg:$0x1] =	wrdreg $0xFFFFFFFF  }
0x25: {  	[dreg:$0x0] =	wrdreg $0x60  }
0x26: {  	[dreg:$0x2] =	wrdreg s25  }
0x27: {  	[dreg:$0x3] =	wrdreg s2  }
0x28: {  	[dreg:$0x4] =	wrdreg $0x9  }
0x29: {  	_ =	task.clear_ibuf [dreg:s7], $0x5FFFF;
	_ =	strace $0x90000049  }
0x2a: {  	s29 =	simm.s32 $0x9;
	_ =	strace $0x8000004B  }
0x2b: {  	_ =	swait.ge [sflag:s29], $0x1  }
0x2c: {  	[sflag:s29] =	ssyncadd.s32 $0xFFFFFFFF  }
0x2d: {  	_ =	strace $0x9000004B  }
0x2e: {  	_ =	sfence  }
0x2f: {  	s30 =	sld [smem:$0x0];
	_ =	sdelay $0x2  }
0x30: {  	s31 =	sshll.u32 s1, $0xD;
	s1 =	sshrl.u32 s1, $0x2  }
0x31: {  	s3 =	sand.u32 $0x4000, s31;
	s1 =	sadd.s32 s1, s30  }
0x32: {  	s0 =	sor.u32 s3, s0;
	s1 =	sshll.u32 s1, $0x11  }
0x33: {  	s0 =	sor.u32 s1, s0  }
0x34: {  	s0 =	sadd.s32 $0x8F2B, s0  }
0x35: {  	[sflag:s0] =	ssyncadd.remote.s32 $0x1  }
0x36: {  	_ =	sfence.sel $0xFFFF  }
0x37: {  	[dreg:$0x0] =	wrdreg $0xFFFFFFFF;
	(pc) =	sbr.abs _section_cstart, $3  }
0x38: {  	[dreg:$0x1] =	wrdreg $0xFFFFFFFF  }
0x39: {  	_ =	task.clear_ibuf [dreg:s7], $0x2FFFF;
	_ =	strace $0x9FFFFFFF  }
0x3a: {  	(tm) =	ssettm $0x7FFFFFFF  }
0x3b: {  	_ =	shalt  }
tec
execute0_lowered:
.L_overlay_start_1:
0x0: {  	(tag) =	ssettag $0x1  }
0x1: {  	s0 =	srdreg.scid  }
0x2: {  	s1 =	sshll.u32 s0, $0x4  }
0x3: {  	s4 =	rddreg [dreg:$0x0];
	s0 =	stileid.u32;
	s1 =	sand.u32 $0x10, s1  }
0x4: {  	s2 =	rddreg [dreg:$0x1];
	s7 =	simm.s32 $0x1;
	s1 =	sor.u32 s0, s1  }
0x5: {  	s8 =	simm.s32 $0x2;
	s11 =	simm.s32 $0x0;
	s3 =	sshll.u32 s1, $0x7  }
0x6: {  	s10 =	simm.s32 $0x0;
	s4 =	sadd.s32 $0xE00, s4;
	s6 =	ssub.s32 $0xC8000, s3  }
.Ltmp0:
0x7: {  	s1 =	rddreg [dreg:$0x2];
	s5 =	sand.u32 $0xF80, s6;
	(pc) =	sbr.rel .LBB1_1-.Ltmp0, $4  }
0x8: {  	_ =	strace $0x8000004A;
	s9 =	smov.u32 s3;
	p0 =	sne.s32 s5, $0x0  }
0x9: {  	s6 =	sshrl.u32 s6, $0xC;
	s5 =	simm.s32 $0x1;
	s7 =	simm.s32 @!p0 $0x0  }
0xa: {  	[sflag:s5] =	ssyncpa.u1 $0x0;
	p0 =	por $0x0, $0x0;
	s6 =	sadd.s32 s7, s6  }
0xb: {  	[sflag:s8] =	ssyncpa.u1 $0x0;
	s8 =	simm.s32 $0x640000;
	s7 =	sadd.s32 $0x1, s6  }
.LBB1_4:
0xc: {  	s14 =	sshll.u32 s11, $0x3  }
0xd: {  	s30 =	sand.u32 $0x7F, s11;
	s15 =	sand.u32 $0xFFFFFC00, s14  }
0xe: {  	s11 =	sor.u32 s30, s15  }
0xf: {  	s15 =	smulhi.u32 $0x51EB851F, s11  }
0x10: {  	s14 =	smulhi.u32 $0x51EB851F, s14  }
0x11: {  	s15 =	sshrl.u32 s15, $0x12  }
0x12: {  	s14 =	sshrl.u32 s14, $0x12;
	s15 =	smul.u32 $0xC8000, s15  }
0x13: {  	s14 =	sand.u32 $0x1F, s14  }
0x14: {  	s14 =	smul.u32 $0x19000, s14;
	s11 =	ssub.s32 s11, s15  }
0x15: {  	s15 =	sand.u32 $0x7, s11  }
0x16: {  	s14 =	sadd.s32 s2, s14;
	s11 =	sshrl.u32 s11, $0x3;
	s15 =	sshll.u32 s15, $0x12  }
0x17: {  	[tilespmem:s13+$0x0 ss:$0x81] =	vst.msk $0xffff, v0;
	s11 =	sadd.s32 s11, s14;
	s31 =	sor.u32 $0x400, s15  }
0x18: {  	[hbm4b:s11+s31] =	stream.strided.scatter [tilespmem:s12], [sflag:$0x2], $0x1000, s8, s31, $0x20;
	[tilespmem:$0x4040] =	vst v63  }
.LBB1_5:
0x19: {  	s13 =	sadd.s32 $0x1000, s9  }
0x1a: {  	p2 =	sgt.s32 s13, $0xC7FFF  }
0x1b: {  	s13 =	smov.u32 @p2 s3;
	p2 =	sne.s32 s10, s7  }
.Ltmp1:
0x1c: {  	p1 =	slt.u32 s10, $0x2;
	(pc) =	sbr.rel @!p2 .LBB1_6-.Ltmp1, $4  }
0x1d: {  	s12 =	simm.s32 @!p1 $0x2  }
0x1e: {  	s14 =	sadd.s32 $0x1, s10;
	_ =	swait.ge @!p1 [sflag:s12], $0x1000  }
0x1f: {  	s11 =	smov.u32 s9;
	p0 =	por !p0, !p0;
	[sflag:s12] =	ssyncset.done @!p1 $0x0  }
0x20: {  	s10 =	smov.u32 s14;
	s9 =	smov.u32 s13;
	[sflag:s12] =	ssyncadd.s32 @!p1 $0xFFFFF000  }
.LBB1_1:
0x21: {  	p1 =	sge.u32 s10, s6  }
0x22: {  	s12 =	sand.u32 @!p1 $0x1FFFFFF, s9  }
0x23: {  	s13 =	smulhi.u32 @!p1 $0x147AE15, s12;
	_ =	sdelay $0x1  }
0x24: {  	s13 =	sshrl.u32 @!p1 s13, $0xC  }
0x25: {  	s13 =	smul.u32 @!p1 $0xC8000, s13;
	_ =	sdelay $0x1  }
0x26: {  	s31 =	sadd.s32 $0xFFFFFFFF, s10;
	s14 =	sxor.u32 @!p1 $0xFFFFFFFF, s10;
	s12 =	ssub.s32 @!p1 s12, s13  }
0x27: {  	s15 =	simm.s32 @!p1 $0x80;
	s14 =	sshll.u32 @!p1 s14, $0xC;
	s12 =	sshll.u32 @!p1 s12, $0x4  }
0x28: {  	s13 =	sand.u32 @!p1 $0x1000, s14;
	s14 =	simm.s32 @!p1 $0x20;
	s12 =	sadd.s32 @!p1 s4, s12  }
0x29: {  	[tilespmem:s13], [sflag:$0x1] =	stream.strided.gather @!p1 [hbm4b:s12+s14], $0x1000, s15, s14, $0x38;
	[tilespmem:$0x4040] =	vst v63  }
0x2a: {  	p1 =	sge.u32 s31, s6  }
.Ltmp2:
0x2b: {  	_ = 	snop;
	(pc) =	sbr.rel @p1 .LBB1_5-.Ltmp2, $1  }
0x2c: {  	_ =	sdelay $0x3  }
0x2d: {  	s12 =	simm.s32 $0x1  }
0x2e: {  	_ =	swait.ge [sflag:s5], $0x1000;
	s12 =	simm.s32 @!p0 $0x0  }
0x2f: {  	[sflag:s5] =	ssyncset.done $0x0;
	s13 =	sshll.u32 s12, $0xC  }
0x30: {  	[sflag:s5] =	ssyncadd.s32 $0xFFFFF000;
	s16 =	sor.u32 $0x10, s13  }
0x31: {  	s12 =	smul.u32 $0x4080, s12;
	v1 =	vld [tilespmem:s16+$0x0]  }
0x32: {  	s30 =	sand.u32 $0x1, s10;
	v0 =	vld [tilespmem:s16+$0xFFFFFFF0]  }
0x33: {  	s13 =	smul.u32 $0x4080, s30;
	s12 =	sshrl.u32 s12, $0x2  }
0x34: {  	s14 =	sor.u32 $0x2000, s12  }
0x35: {  	s31 =	sshrl.u32 s13, $0x2;
	s13 =	sadd.s32 $0x0, s14  }
0x36: {  	s15 =	simm.s32 $0x4;
	s16 =	sadd.s32 $0x20, s16;
	s12 =	sor.u32 $0x2000, s31;
	[tilespmem:s13+$0x810 ss:$0x81] =	vst.msk $0xffff, v1  }
.LBB1_3:
0x37: {  	v1 =	vld [tilespmem:s16+$0x0];
	p1 =	sne.s32 s15, $0x1FC;
	[tilespmem:s13+$0x0 ss:$0x81] =	vst.msk $0xffff, v0;
	s13 =	smov.u32 s15;
	s15 =	sadd.s32 $0x4, s15  }
.Ltmp3:
0x38: {  	v0 =	vld [tilespmem:s16+$0xFFFFFFF0];
	(pc) =	sbr.rel @p1 .LBB1_3-.Ltmp3, $4  }
0x39: {  	_ = 	snop  }
0x3a: {  	s13 =	sshra.s32 s13, $0x2  }
0x3b: {  	s13 =	sadd.s32 s13, s14  }
0x3c: {  	s16 =	sadd.s32 $0x20, s16;
	[tilespmem:s13+$0x810 ss:$0x81] =	vst.msk $0xffff, v1  }
.Ltmp4:
0x3d: {  	_ = 	snop;
	(pc) =	sbr.rel .LBB1_4-.Ltmp4, $1  }
0x3e: {  	_ =	sdelay $0x3  }
.LBB1_6:
0x3f: {  	_ =	sfence.sel $0x180000  }
0x40: {  	s2 =	simm.s32 $0x1;
	[bflag:$0x0] =	sbarrier.arrive $0xFFFF  }
0x41: {  	s31 =	simm.s32 $0x2;
	[sflag:s2] =	ssyncpa.u1 $0x1  }
0x42: {  	[sflag:s31] =	ssyncpa.u1 $0x1  }
0x43: {  	p0 =	sne.s32 s0, $0x0;
	_ =	strace $0x9000004A  }
0x44: {  	s0 =	sadd.s32 @!p0 $0x100000, s1;
	[bflag:$0x2] =	sbarrier.arrive $0xFFFF  }
0x45: {  	[sflag:s0] =	ssyncadd.tile.s32 @!p0 $0x1;
	_ =	shalt  }
.Lfunc_end1:
_tile_overlayer_lowered:
.L_overlay_start_2:
0x46: {  	(tag) =	ssettag $0x2  }
0x47: {  	s0 =	rddreg [dreg:$0x0];
	s2 =	stileid.u32  }
0x48: {  	s1 =	rddreg [dreg:$0x1];
	p0 =	sne.s32 s2, $0x0  }
0x49: {  	s3 =	rddreg [dreg:$0x2];
	[bflag:$0x3] =	sbarrier.arrive $0xFFFF;
	s2 =	simm.s32 @!p0 $0x1C01  }
0x4a: {  	[timem:s3], [sflag:s2] =	dma.local @!p0 [hbm:s0], s1  }
0x4b: {  	s0 =	simm.s32 @!p0 $0x1  }
0x4c: {  	_ =	swait.ge @!p0 [sflag:s0], s1  }
0x4d: {  	s1 =	ssub.s32 @!p0 $0x0, s1;
	[sflag:s0] =	ssyncset.done @!p0 $0x0  }
0x4e: {  	[sflag:s0] =	ssyncadd.s32 @!p0 s1  }
0x4f: {  	[bflag:$0x3] =	sbarrier.arrive $0xFFFF  }
0x50: {  	_ =	shalt  }

// kernel: sparse-core-data-format-call.cloned.1.call-start
scs
called_computation_lowered:
.L_overlay_start_0:
0x0: {  	s2 =	sld [smem:$0x3FD9]  }
0x1: {  	s3 =	sld [smem:$0x3FFE];
	_ =	sdelay $0x1  }
0x2: {  	s1 =	srdreg.scid  }
0x3: {  	s0 =	sand.u32 $0x1, s1  }
0x4: {  	s18 =	sshll.u32 s0, $0xA;
	s2 =	sadd.s32 s3, s2  }
0x5: {  	s2 =	sadd.s32 s2, s18  }
0x6: {  	[smem:$0x3FC6] =	sst s2  }
0x7: {  	_ = 	snop  }
0x8: {  	s2 =	sld [smem:$0x3FD0];
	(tm) =	ssettm $0x1  }
0x9: {  	s19 =	sld [smem:$0x3FFB];
	_ =	sdelay $0x3  }
0xa: {  	_ =	strace s19  }
0xb: {  	s3 =	sld [smem:$0x3FFC];
	_ =	sdelay $0x3  }
0xc: {  	_ =	strace s3  }
0xd: {  	s3 =	sld [smem:$0x3FFD];
	_ =	sdelay $0x3  }
0xe: {  	_ =	strace s3  }
0xf: {  	_ =	strace $0x8FFFFFFF  }
0x10: {  	s20 =	sld [smem:$0x3FDB];
	_ =	sdelay $0x1  }
0x11: {  	s4 =	simm.s32 $_scs_section_size  }
0x12: {  	s5 =	simm.s32 $_size__tile_overlayer_lowered;
	s6 =	simm.s32 $_tile_overlayer_lowered  }
0x13: {  	s23 =	simm.s32 $0x1BFF;
	s22 =	sshll.u32 s6, $0x1;
	s3 =	sadd.s32 s4, s20  }
0x14: {  	s7 =	simm.s32 $0x0;
	s21 =	sshll.u32 s5, $0x1;
	s5 =	sadd.s32 s22, s3  }
0x15: {  	[timem:s7], [sflag:s23] =	dma.local [hbm:s5], s21  }
0x16: {  	_ =	swait.ge [sflag:s23], s21  }
0x17: {  	s4 =	ssub.s32 $0x0, s21;
	[sflag:s23] =	ssyncset.done $0x0  }
0x18: {  	[sflag:s23] =	ssyncadd.s32 s4;
	_ =	sdelay $0x1  }
0x19: {  	s24 =	simm.s32 $0x1B8B  }
0x1a: {  	_ =	swait.ge [sflag:s24], $0x1  }
0x1b: {  	[sflag:s24] =	ssyncset.done $0x0  }
0x1c: {  	s26 =	simm.s32 $0x1B8E;
	s25 =	sld [smem:$0x3FFE];
	[sflag:s24] =	ssyncadd.s32 $0xFFFFFFFF  }
0x1d: {  	s27 =	simm.s32 $execute0_lowered;
	[smem:$0x3FD2] =	sst s26  }
0x1e: {  	s5 =	sshll.u32 s27, $0x1;
	_ =	strace $0x8000004C;
	[dreg:$0x1] =	wrdreg $0xFFFFFFFF  }
0x1f: {  	s28 =	simm.s32 $_size_execute0_lowered;
	s3 =	sadd.s32 s3, s5;
	[dreg:$0x0] =	wrdreg $0x0  }
0x20: {  	s5 =	sshll.u32 s28, $0x1;
	[dreg:$0x2] =	wrdreg s3  }
0x21: {  	[dreg:$0x3] =	wrdreg s5  }
0x22: {  	[dreg:$0x4] =	wrdreg $0xC0  }
0x23: {  	_ =	task [dreg:s7], $0x5FFFF  }
0x24: {  	[dreg:$0x1] =	wrdreg $0xFFFFFFFF  }
0x25: {  	[dreg:$0x0] =	wrdreg $0x60  }
0x26: {  	[dreg:$0x2] =	wrdreg s25  }
0x27: {  	[dreg:$0x3] =	wrdreg s2  }
0x28: {  	[dreg:$0x4] =	wrdreg $0x9  }
0x29: {  	_ =	task.clear_ibuf [dreg:s7], $0x5FFFF;
	_ =	strace $0x9000004C  }
0x2a: {  	s29 =	simm.s32 $0x9;
	_ =	strace $0x8000004E  }
0x2b: {  	_ =	swait.ge [sflag:s29], $0x1  }
0x2c: {  	[sflag:s29] =	ssyncadd.s32 $0xFFFFFFFF  }
0x2d: {  	_ =	strace $0x9000004E  }
0x2e: {  	_ =	sfence  }
0x2f: {  	s30 =	sld [smem:$0x0];
	_ =	sdelay $0x2  }
0x30: {  	s31 =	sshll.u32 s1, $0xD;
	s1 =	sshrl.u32 s1, $0x2  }
0x31: {  	s3 =	sand.u32 $0x4000, s31;
	s1 =	sadd.s32 s1, s30  }
0x32: {  	s0 =	sor.u32 s3, s0;
	s1 =	sshll.u32 s1, $0x11  }
0x33: {  	s0 =	sor.u32 s1, s0  }
0x34: {  	s0 =	sadd.s32 $0x8F2B, s0  }
0x35: {  	[sflag:s0] =	ssyncadd.remote.s32 $0x1  }
0x36: {  	_ =	sfence.sel $0xFFFF  }
0x37: {  	[dreg:$0x0] =	wrdreg $0xFFFFFFFF;
	(pc) =	sbr.abs _section_cstart, $3  }
0x38: {  	[dreg:$0x1] =	wrdreg $0xFFFFFFFF  }
0x39: {  	_ =	task.clear_ibuf [dreg:s7], $0x2FFFF;
	_ =	strace $0x9FFFFFFF  }
0x3a: {  	(tm) =	ssettm $0x7FFFFFFF  }
0x3b: {  	_ =	shalt  }
tec
execute0_lowered:
.L_overlay_start_1:
0x0: {  	(tag) =	ssettag $0x1  }
0x1: {  	s8 =	rddreg [dreg:$0x0]  }
0x2: {  	s2 =	rddreg [dreg:$0x1];
	s1 =	stileid.u32  }
0x3: {  	s4 =	srdreg.scid;
	s0 =	rddreg [dreg:$0x2];
	_ =	strace $0x8000004D  }
0x4: {  	s9 =	simm.s32 $0x1;
	s31 =	simm.s32 $0x2;
	s16 =	simm.s32 $0x0  }
0x5: {  	s17 =	simm.s32 $0x0;
	s11 =	simm.s32 $0x0;
	s12 =	simm.s32 $0x0  }
0x6: {  	s15 =	simm.s32 $0x0;
	s3 =	sshll.u32 s1, $0x1;
	s4 =	sshll.u32 s4, $0x7  }
0x7: {  	s4 =	sand.u32 $0x80, s4;
	s5 =	ssub.s32 $0x20, s3;
	s14 =	smov.u32 s3  }
0x8: {  	s6 =	sshrl.u32 s5, $0x5;
	s5 =	sand.u32 $0x1E, s5;
	s7 =	ssub.s32 $0x4000, s4  }
0x9: {  	p0 =	sne.s32 s5, $0x0;
	s30 =	sshrl.u32 s7, $0x7;
	s7 =	sshrl.u32 s7, $0x8  }
.Ltmp0:
0xa: {  	s9 =	simm.s32 @!p0 $0x0;
	s10 =	sand.u32 $0x1, s30;
	(pc) =	sbr.rel .LBB1_1-.Ltmp0, $4  }
0xb: {  	s5 =	simm.s32 $0x1;
	s6 =	sadd.s32 s9, s6;
	s7 =	sadd.s32 s7, s10  }
0xc: {  	s13 =	smov.u32 s4;
	[sflag:s5] =	ssyncpa.u1 $0x0;
	s6 =	smul.u32 s6, s7  }
0xd: {  	p0 =	por $0x0, $0x0;
	[sflag:s31] =	ssyncpa.u1 $0x0;
	s10 =	simm.s32 $0x80000  }
0xe: {  	s7 =	sadd.s32 $0xE00, s8;
	s8 =	sadd.s32 $0x40E00, s8;
	s9 =	sadd.s32 $0x1, s6  }
.LBB1_7:
0xf: {  	p1 =	slt.u32 s15, $0x2  }
0x10: {  	s19 =	smov.u32 s17;
	p2 =	sgt.s32 @!p1 s17, $0x1E;
	s18 =	sshra.s32 @!p1 s17, $0x1F  }
0x11: {  	p3 =	sgt.s32 @!p1 s16, $0x3F80;
	s20 =	sshra.s32 @!p1 s16, $0x1F;
	p2 =	por !p2, p1  }
0x12: {  	s17 =	sand.u32 @!p1 s18, s17;
	p3 =	por !p3, p1;
	s18 =	smov.u32 s16  }
0x13: {  	s16 =	sand.u32 @!p1 s20, s16;
	s19 =	simm.s32 @p2 $0x1E;
	s18 =	simm.s32 @p3 $0x3F80  }
0x14: {  	s20 =	smov.u32 s14;
	s17 =	ssub.s32 @!p1 s19, s17;
	s16 =	ssub.s32 @!p1 s18, s16  }
0x15: {  	s18 =	sadd.s32 @!p1 $0xFFFFFFE2, s17;
	s17 =	ssub.s32 @!p1 $0x20, s17;
	s19 =	sadd.s32 @!p1 $0xFFFFC080, s16  }
0x16: {  	p2 =	sgt.s32 @!p1 s18, $0x1;
	s17 =	smul.u32 @!p1 $0x32, s17;
	p3 =	sgt.s32 @!p1 s19, $0x7F  }
0x17: {  	s16 =	ssub.s32 @!p1 $0x4000, s16;
	p2 =	por !p2, p1;
	p3 =	por !p3, p1  }
0x18: {  	s18 =	sadd.s32 $0x100, s13;
	s17 =	simm.s32 @!p2 $0x0;
	s16 =	simm.s32 @!p3 $0x0  }
0x19: {  	p2 =	sgt.s32 s18, $0x3FFF;
	s16 =	smul.u32 @!p1 s16, s17;
	s17 =	sadd.s32 $0x20, s14  }
0x1a: {  	s20 =	smov.u32 @p2 s17  }
0x1b: {  	s18 =	smov.u32 @p2 s4;
	p2 =	sgt.s32 s20, $0x1F  }
0x1c: {  	s20 =	smov.u32 @p2 s3;
	p2 =	sne.s32 s15, s9  }
.Ltmp1:
0x1d: {  	p0 =	por !p0, !p0;
	s19 =	simm.s32 @!p1 $0x2;
	(pc) =	sbr.rel @!p2 .LBB1_8-.Ltmp1, $4  }
0x1e: {  	s17 =	smov.u32 s12;
	s12 =	smov.u32 s14;
	s16 =	sand.u32 @!p1 $0x3FFFFFFE, s16  }
0x1f: {  	_ =	swait.ge @!p1 [sflag:s19], s16;
	s21 =	ssub.s32 @!p1 $0x0, s16;
	s16 =	smov.u32 s11  }
0x20: {  	s15 =	sadd.s32 $0x1, s15;
	s11 =	smov.u32 s13;
	[sflag:s19] =	ssyncset.done @!p1 $0x0  }
0x21: {  	s13 =	smov.u32 s18;
	s14 =	smov.u32 s20;
	[sflag:s19] =	ssyncadd.s32 @!p1 s21  }
.LBB1_1:
0x22: {  	p1 =	sge.u32 s15, s6  }
0x23: {  	s18 =	sxor.u32 @!p1 $0xFFFFFFFF, s15;
	s19 =	sshll.u32 @!p1 s14, $0x12  }
0x24: {  	s20 =	sshll.u32 @!p1 s13, $0x4;
	s22 =	simm.s32 @!p1 $0x40;
	s23 =	simm.s32 @!p1 $0x80  }
0x25: {  	s18 =	sshll.u32 @!p1 s18, $0xE;
	s20 =	sand.u32 @!p1 $0x3FFF0, s20;
	s21 =	sadd.s32 @!p1 s7, s19  }
0x26: {  	s19 =	sadd.s32 @!p1 s19, s8;
	s18 =	sand.u32 @!p1 $0x4000, s18;
	s21 =	sadd.s32 @!p1 s20, s21  }
0x27: {  	[tilespmem:s18], [sflag:$0x1] =	stream.strided.gather @!p1 [hbm4b:s21+s22], $0x2000, s23, s22, $0x38;
	[tilespmem:$0x10100] =	vst v63  }
0x28: {  	s31 =	sadd.s32 $0xFFFFFFFF, s15;
	s19 =	sadd.s32 @!p1 s20, s19;
	s18 =	sor.u32 @!p1 $0x2000, s18  }
0x29: {  	[tilespmem:s18], [sflag:$0x1] =	stream.strided.gather @!p1 [hbm4b:s19+s22], $0x2000, s23, s22, $0x38;
	[tilespmem:$0x10100] =	vst v63  }
0x2a: {  	p1 =	sge.u32 s31, s6  }
.Ltmp2:
0x2b: {  	_ = 	snop;
	(pc) =	sbr.rel @p1 .LBB1_7-.Ltmp2, $1  }
0x2c: {  	_ =	sdelay $0x3  }
0x2d: {  	s18 =	simm.s32 $0x1;
	s20 =	sand.u32 $0x1, s15  }
0x2e: {  	_ =	swait.ge [sflag:s5], $0x4000;
	s18 =	simm.s32 @!p0 $0x0;
	s20 =	smul.u32 $0x10200, s20  }
0x2f: {  	p2 =	por $0x1, $0x1;
	[sflag:s5] =	ssyncset.done $0x0;
	s19 =	smul.u32 $0x10200, s18  }
0x30: {  	s21 =	sshll.u32 s18, $0x10;
	[sflag:s5] =	ssyncadd.s32 $0xFFFFC000;
	s30 =	sshrl.u32 s20, $0x2  }
0x31: {  	s31 =	sshrl.u32 s21, $0x2;
	s21 =	simm.s32 $0x0;
	s19 =	sshrl.u32 s19, $0x2  }
0x32: {  	s18 =	sor.u32 $0x8000, s30;
	s20 =	sadd.s32 $0x20, s31;
	s19 =	sor.u32 $0x8000, s19  }
.LBB1_3:
0x33: {  	s22 =	sshll.u32 s21, $0xD  }
0x34: {  	s22 =	sand.u32 $0x3FFFE000, s22  }
0x35: {  	s24 =	sadd.s32 s22, s20  }
0x36: {  	s31 =	smul.u32 $0x204, s21;
	v3 =	vld [tilespmem:s24+$0x10]  }
0x37: {  	v1 =	vld [tilespmem:s24+$0xFFFFFFF0]  }
0x38: {  	s21 =	sshra.s32 s31, $0x2;
	v0 =	vld [tilespmem:s24+$0x0]  }
0x39: {  	s21 =	sadd.s32 s21, s19;
	v2 =	vld [tilespmem:s24+$0xFFFFFFE0]  }
0x3a: {  	s22 =	sadd.s32 $0x0, s21  }
0x3b: {  	p1 =	por p2, p2;
	s23 =	simm.s32 $0x4;
	s24 =	sadd.s32 $0x40, s24;
	[tilespmem:s22+$0x3060 ss:$0x102] =	vst.msk $0xffff, v3  }
.LBB1_4:
0x3c: {  	v3 =	vld [tilespmem:s24+$0x10];
	p2 =	sne.s32 s23, $0x1FC;
	[tilespmem:s22+$0x1020 ss:$0x102] =	vst.msk $0xffff, v1;
	s25 =	smov.u32 s23;
	s23 =	sadd.s32 $0x4, s23  }
.Ltmp3:
0x3d: {  	v1 =	vld [tilespmem:s24+$0xFFFFFFF0];
	[tilespmem:s22+$0x2040 ss:$0x102] =	vst.msk $0xffff, v0;
	(pc) =	sbr.rel @p2 .LBB1_4-.Ltmp3, $4  }
0x3e: {  	v0 =	vld [tilespmem:s24+$0x0];
	[tilespmem:s22+$0x0 ss:$0x102] =	vst.msk $0xffff, v2  }
0x3f: {  	s22 =	sshra.s32 s25, $0x2;
	v2 =	vld [tilespmem:s24+$0xFFFFFFE0]  }
0x40: {  	s22 =	sadd.s32 s22, s21  }
0x41: {  	s24 =	sadd.s32 $0x40, s24;
	[tilespmem:s22+$0x3060 ss:$0x102] =	vst.msk $0xffff, v3  }
.Ltmp4:
0x42: {  	(pc) =	sbr.rel @p1 .LBB1_3-.Ltmp4, $4  }
0x43: {  	_ = 	snop  }
0x44: {  	[tilespmem:s22+$0x1020 ss:$0x102] =	vst.msk $0xffff, v1  }
0x45: {  	[tilespmem:s22+$0x2040 ss:$0x102] =	vst.msk $0xffff, v0  }
0x46: {  	s21 =	simm.s32 $0x1;
	p2 =	por $0x0, $0x0;
	[tilespmem:s22+$0x0 ss:$0x102] =	vst.msk $0xffff, v2  }
0x47: {  	s19 =	sand.u32 $0x78, s11;
	p1 =	sgt.s32 s12, $0x1E;
	s20 =	smov.u32 s12  }
0x48: {  	s21 =	sshra.s32 s12, $0x1F;
	s22 =	sshll.u32 s12, $0xE;
	s23 =	sshll.u32 s11, $0x3  }
0x49: {  	s30 =	sshra.s32 s11, $0x1F;
	s25 =	sshll.u32 s12, $0x7;
	s20 =	simm.s32 @!p1 $0x1E  }
0x4a: {  	s21 =	sand.u32 s21, s12;
	s22 =	sand.u32 $0x60000, s22;
	p1 =	sgt.s32 s11, $0x3F80  }
0x4b: {  	s25 =	sand.u32 $0x380, s25;
	s20 =	ssub.s32 s20, s21;
	s21 =	smov.u32 s11  }
0x4c: {  	s22 =	sadd.s32 s22, s23;
	s24 =	sadd.s32 $0xFFFFFFE2, s20;
	s21 =	simm.s32 @!p1 $0x3F80  }
0x4d: {  	s20 =	ssub.s32 $0x20, s20;
	p1 =	sgt.s32 s24, $0x1;
	s24 =	sand.u32 s30, s11  }
0x4e: {  	s23 =	sand.u32 $0x3C00, s23;
	s20 =	smul.u32 $0x32, s20;
	s21 =	ssub.s32 s21, s24  }
0x4f: {  	s19 =	sor.u32 s25, s19;
	s22 =	sand.u32 $0x7C000, s22;
	s24 =	sadd.s32 $0xFFFFC080, s21  }
0x50: {  	s20 =	simm.s32 @p1 $0x0;
	s21 =	ssub.s32 $0x4000, s21;
	p1 =	sgt.s32 s24, $0x7F  }
.Ltmp5:
0x51: {  	s19 =	sor.u32 s23, s19;
	s21 =	simm.s32 @p1 $0x0;
	(pc) =	sbr.rel .LBB1_7-.Ltmp5, $4  }
0x52: {  	s31 =	sand.u32 $0x7, s11;
	s19 =	sor.u32 s22, s19;
	s20 =	smul.u32 s21, s20  }
0x53: {  	s19 =	sshrl.u32 s19, $0x3;
	s21 =	sshll.u32 s31, $0x12  }
0x54: {  	s19 =	sadd.s32 s2, s19;
	s21 =	sor.u32 $0x100, s21;
	s20 =	sand.u32 $0x3FFFFFFE, s20  }
0x55: {  	[hbm4b:s19+s21] =	stream.strided.scatter [tilespmem:s18], [sflag:$0x2], s20, s10, s21, $0x20;
	[tilespmem:$0x10100] =	vst v63  }
.LBB1_8:
0x56: {  	_ =	sfence.sel $0x180000  }
0x57: {  	s2 =	simm.s32 $0x1;
	[bflag:$0x0] =	sbarrier.arrive $0xFFFF  }
0x58: {  	s31 =	simm.s32 $0x2;
	[sflag:s2] =	ssyncpa.u1 $0x1  }
0x59: {  	[sflag:s31] =	ssyncpa.u1 $0x1  }
0x5a: {  	p0 =	sne.s32 s1, $0x0;
	_ =	strace $0x9000004D  }
0x5b: {  	s0 =	sadd.s32 @!p0 $0x100000, s0;
	[bflag:$0x2] =	sbarrier.arrive $0xFFFF  }
0x5c: {  	[sflag:s0] =	ssyncadd.tile.s32 @!p0 $0x1;
	_ =	shalt  }
.Lfunc_end1:
_tile_overlayer_lowered:
.L_overlay_start_2:
0x5d: {  	(tag) =	ssettag $0x2  }
0x5e: {  	s0 =	rddreg [dreg:$0x0];
	s2 =	stileid.u32  }
0x5f: {  	s1 =	rddreg [dreg:$0x1];
	p0 =	sne.s32 s2, $0x0  }
0x60: {  	s3 =	rddreg [dreg:$0x2];
	[bflag:$0x3] =	sbarrier.arrive $0xFFFF;
	s2 =	simm.s32 @!p0 $0x1C01  }
0x61: {  	[timem:s3], [sflag:s2] =	dma.local @!p0 [hbm:s0], s1  }
0x62: {  	s0 =	simm.s32 @!p0 $0x1  }
0x63: {  	_ =	swait.ge @!p0 [sflag:s0], s1  }
0x64: {  	s1 =	ssub.s32 @!p0 $0x0, s1;
	[sflag:s0] =	ssyncset.done @!p0 $0x0  }
0x65: {  	[sflag:s0] =	ssyncadd.s32 @!p0 s1  }
0x66: {  	[bflag:$0x3] =	sbarrier.arrive $0xFFFF  }
0x67: {  	_ =	shalt  }

</sc_bundles>
